<compile_context>
chip_gen: v7x
topology: tpu7x:2x2x1
jax: 0.10.2.dev20260603
libtpu: 0.0.44.dev20260713+nightly
codegen_flags: <defaults>
</compile_context>

<pallas_src>
import functools

import jax
import jax.numpy as jnp
from jax import lax
from jax.experimental import pallas as pl
from jax.experimental.pallas import tpu as pltpu
from jax.experimental.pallas import tpu_sc as plsc

VOCAB = 1000000
DIM = 64
SEQ = 200
BATCH = 4096

NC = 2
NS = 16
NW = NC * NS
BPW = BATCH // NW
NCH = SEQ
NBUF = 4
LANES = 16


def _sc_body(xt, tab, pos, out, idx_all, pos_v, bufs, gsems, osems):
    wid = lax.axis_index("s") * NC + lax.axis_index("c")
    b0 = wid * BPW

    pltpu.sync_copy(xt.at[:, pl.ds(b0, BPW)], idx_all)
    pltpu.sync_copy(pos, pos_v)

    def start_gather(c, b):
        pltpu.async_copy(tab.at[idx_all.at[c]], bufs[b], gsems[b])

    def wait_gather(b):
        pltpu.make_async_copy(tab.at[pl.ds(0, BPW)], bufs[b], gsems[b]).wait()

    def start_out(c, b):
        pltpu.async_copy(bufs[b], out.at[c, pl.ds(b0, BPW)], osems[b])

    def wait_out(b):
        pltpu.make_async_copy(bufs[b], out.at[0, pl.ds(b0, BPW)],
                              osems[b]).wait()

    for b in range(NBUF - 1):
        start_gather(b, b)

    def group_body(g, carry):
        for b in range(NBUF):
            c = g * NBUF + b
            f = c + NBUF - 1
            bf = (b + NBUF - 1) % NBUF

            @pl.when(jnp.logical_and(f >= NBUF, f < NCH))
            def _():
                wait_out(bf)
                start_gather(f, bf)

            @pl.when(jnp.logical_and(f < NBUF, f < NCH))
            def _():
                start_gather(f, bf)

            wait_gather(b)

            buf = bufs[b]
            prow = [pos_v[c, pl.ds(d * LANES, LANES)]
                    for d in range(DIM // LANES)]

            def jbody(j, carry2):
                for d in range(DIM // LANES):
                    s = pl.ds(d * LANES, LANES)
                    buf[j, s] = buf[j, s] + prow[d]
                return carry2

            lax.fori_loop(0, BPW, jbody, 0, unroll=4)

            start_out(c, b)
        return carry

    lax.fori_loop(0, NCH // NBUF, group_body, 0)

    for b in range(NBUF):
        wait_out(b)


@jax.jit
def _sc_call(xt, token_table, pos_table):
    mesh = plsc.VectorSubcoreMesh(core_axis_name="c", subcore_axis_name="s")

    def body(xt_r, tab_r, pos_r, out_r, idx_all, pos_v,
             b0, b1, b2, b3, g0, g1, g2, g3, o0, o1, o2, o3):
        _sc_body(xt_r, tab_r, pos_r, out_r, idx_all, pos_v,
                 [b0, b1, b2, b3], [g0, g1, g2, g3], [o0, o1, o2, o3])

    return pl.kernel(
        body,
        out_type=jax.ShapeDtypeStruct((SEQ, BATCH, DIM), jnp.float32),
        mesh=mesh,
        compiler_params=pltpu.CompilerParams(use_tc_tiling_on_sc=False),
        scratch_types=(
            [pltpu.VMEM((SEQ, BPW), jnp.int32),
             pltpu.VMEM((SEQ, DIM), jnp.float32)]
            + [pltpu.VMEM((BPW, DIM), jnp.float32) for _ in range(NBUF)]
            + [pltpu.SemaphoreType.DMA for _ in range(2 * NBUF)]
        ),
    )(xt, token_table, pos_table)


def kernel(x, token_table, pos_table):
    xt = x.astype(jnp.int32).T
    out_t = _sc_call(xt, token_table, pos_table)
    return out_t.transpose(1, 0, 2)

# --- scband reference (transcript-rebuilt; emitter-appended) ---
"""Pipeline reference for scband-vocab-embedding-2619930051099 (READ-ONLY COPY).

The authoritative reference and input builder live on the scoring server;
editing this copy changes nothing except your own understanding.
"""

import jax, jax.numpy as jnp
import numpy as np

VOCAB = 1000000
DIM = 64
SEQ = 200
BATCH = 4096

def setup_inputs(seed: int = 0) -> dict:
    key = jax.random.key(seed)
    k1, k2, k3 = jax.random.split(key, 3)
    x = jax.random.randint(k1, (BATCH, SEQ), 0, VOCAB, dtype=jnp.int64 if jax.config.jax_enable_x64 else jnp.int32)
    token_table = jax.random.normal(k2, (VOCAB, DIM), dtype=jnp.float32) * 0.02
    pos_table = jax.random.normal(k3, (SEQ, DIM), dtype=jnp.float32) * 0.02
    return {"x": x, "token_table": token_table, "pos_table": pos_table}

def reference(x, token_table, pos_table):
    # token embedding lookup: gather rows from table
    tok = jnp.take(token_table, x, axis=0)  # [B, S, D]
    # position embedding: position_ids = arange(S)
    position_ids = jnp.arange(x.shape[1])
    pos = jnp.take(pos_table, position_ids, axis=0)  # [S, D]
    out = tok + pos[None, :, :]
    # dropout p=0.0 -> identity
    return out

if __name__ == "__main__":
    import jax
    _d = setup_inputs()
    print(jax.jit(kernel)(*tuple(_d.values())))

</pallas_src>

<mosaic_0001>
#map = affine_map<(d0, d1) -> (0, 0)>
#map1 = affine_map<(d0, d1) -> (0, 0, 0)>
module attributes {stable_mosaic.version = 14 : i64} {
  func.func @body(%arg0: i32, %arg1: i32, %arg2: memref<200x4096xi32, #tpu.memory_space<hbm>>, %arg3: memref<1000000x64xf32, #tpu.memory_space<hbm>>, %arg4: memref<200x64xf32, #tpu.memory_space<hbm>>, %arg5: memref<200x4096x64xf32, #tpu.memory_space<hbm>>, %arg6: memref<200x128xi32, #tpu.memory_space<vmem>>, %arg7: memref<200x64xf32, #tpu.memory_space<vmem>>, %arg8: memref<128x64xf32, #tpu.memory_space<vmem>>, %arg9: memref<128x64xf32, #tpu.memory_space<vmem>>, %arg10: memref<128x64xf32, #tpu.memory_space<vmem>>, %arg11: memref<128x64xf32, #tpu.memory_space<vmem>>, %arg12: memref<!tpu.dma_semaphore, #tpu.memory_space<semaphore_mem>>, %arg13: memref<!tpu.dma_semaphore, #tpu.memory_space<semaphore_mem>>, %arg14: memref<!tpu.dma_semaphore, #tpu.memory_space<semaphore_mem>>, %arg15: memref<!tpu.dma_semaphore, #tpu.memory_space<semaphore_mem>>, %arg16: memref<!tpu.dma_semaphore, #tpu.memory_space<semaphore_mem>>, %arg17: memref<!tpu.dma_semaphore, #tpu.memory_space<semaphore_mem>>, %arg18: memref<!tpu.dma_semaphore, #tpu.memory_space<semaphore_mem>>, %arg19: memref<!tpu.dma_semaphore, #tpu.memory_space<semaphore_mem>>) attributes {dimension_semantics = [#tpu.dimension_semantics<core_parallel>, #tpu.dimension_semantics<subcore_parallel>], iteration_bounds = array<i64: 2, 16>, scalar_prefetch = 0 : i64, scratch_operands = 14 : i64, tpu.core_type = #tpu.core_type<sc_vector_subcore>, window_params = [{transform_indices = #map}, {transform_indices = #map}, {transform_indices = #map}, {transform_indices = #map1}]} {
    %mul3A = arith.constant 2 : i32
    %mul3A_0 = arith.muli %arg1, %mul3A : i32
    %add3A = arith.addi %mul3A_0, %arg0 : i32
    %mul3A_1 = arith.constant 128 : i32
    %mul3A_2 = arith.muli %add3A, %mul3A_1 : i32
    "tpu.region"() ({
      %run_scoped3A = tpu.sem_alloc : memref<!tpu.dma_semaphore, #tpu.memory_space<semaphore_mem>>
      %dma_start3A_55 = arith.constant 0 : i32
      %dma_start3A_56 = tpu.memref_slice %arg2[%dma_start3A_55, %mul3A_2] : memref<200x4096xi32, #tpu.memory_space<hbm>> -> memref<200x128xi32, #tpu.memory_space<hbm>>
      %dma_start3A_57 = arith.constant 0 : i32
      %dma_start3A_58 = tpu.memref_slice %arg2[%dma_start3A_57, %mul3A_2] : memref<200x4096xi32, #tpu.memory_space<hbm>> -> memref<200x128xi32, #tpu.memory_space<hbm>>
      tpu.enqueue_dma source(%dma_start3A_58 : memref<200x128xi32, #tpu.memory_space<hbm>>) target(%arg6 : memref<200x128xi32, #tpu.memory_space<vmem>>) target_semaphore(%run_scoped3A : memref<!tpu.dma_semaphore, #tpu.memory_space<semaphore_mem>>)
      %dma_wait3A_59 = arith.constant 0 : i32
      %dma_wait3A_60 = tpu.memref_slice %arg2[%dma_wait3A_59, %mul3A_2] : memref<200x4096xi32, #tpu.memory_space<hbm>> -> memref<200x128xi32, #tpu.memory_space<hbm>>
      %dma_wait3A_61 = arith.constant 0 : i32
      %dma_wait3A_62 = tpu.memref_slice %arg2[%dma_wait3A_61, %mul3A_2] : memref<200x4096xi32, #tpu.memory_space<hbm>> -> memref<200x128xi32, #tpu.memory_space<hbm>>
      tpu.wait_dma2 semaphore(%run_scoped3A : memref<!tpu.dma_semaphore, #tpu.memory_space<semaphore_mem>>) src(%dma_wait3A_62 : memref<200x128xi32, #tpu.memory_space<hbm>>) dst(%arg6 : memref<200x128xi32, #tpu.memory_space<vmem>>)
      tpu.yield
    }) : () -> ()
    "tpu.region"() ({
      %run_scoped3A = tpu.sem_alloc : memref<!tpu.dma_semaphore, #tpu.memory_space<semaphore_mem>>
      tpu.enqueue_dma source(%arg4 : memref<200x64xf32, #tpu.memory_space<hbm>>) target(%arg7 : memref<200x64xf32, #tpu.memory_space<vmem>>) target_semaphore(%run_scoped3A : memref<!tpu.dma_semaphore, #tpu.memory_space<semaphore_mem>>)
      tpu.wait_dma2 semaphore(%run_scoped3A : memref<!tpu.dma_semaphore, #tpu.memory_space<semaphore_mem>>) src(%arg4 : memref<200x64xf32, #tpu.memory_space<hbm>>) dst(%arg7 : memref<200x64xf32, #tpu.memory_space<vmem>>)
      tpu.yield
    }) : () -> ()
    %dma_start3A = arith.constant 0 : i32
    %dma_start3A_3 = arith.constant 0 : i32
    %dma_start3A_4 = tpu.memref_slice %arg6[%dma_start3A, %dma_start3A_3] : memref<200x128xi32, #tpu.memory_space<vmem>> -> memref<1x128xi32, #tpu.memory_space<vmem>>
    %dma_start3A_5 = tpu.memref_squeeze %dma_start3A_4 : memref<1x128xi32, #tpu.memory_space<vmem>> -> memref<128xi32, #tpu.memory_space<vmem>>
    %dma_start3A_6 = arith.constant 0 : i32
    %dma_start3A_7 = arith.constant 0 : i32
    %dma_start3A_8 = tpu.memref_slice %arg3[%dma_start3A_6, %dma_start3A_7] : memref<1000000x64xf32, #tpu.memory_space<hbm>> -> memref<1000000x64xf32, #tpu.memory_space<hbm>>
    tpu.enqueue_indirect_dma source(%dma_start3A_8 : memref<1000000x64xf32, #tpu.memory_space<hbm>>) target(%arg8 : memref<128x64xf32, #tpu.memory_space<vmem>>) offsets(%dma_start3A_5 : memref<128xi32, #tpu.memory_space<vmem>>) semaphore(%arg12 : memref<!tpu.dma_semaphore, #tpu.memory_space<semaphore_mem>>)
    %dma_start3A_9 = arith.constant 1 : i32
    %dma_start3A_10 = arith.constant 0 : i32
    %dma_start3A_11 = tpu.memref_slice %arg6[%dma_start3A_9, %dma_start3A_10] : memref<200x128xi32, #tpu.memory_space<vmem>> -> memref<1x128xi32, #tpu.memory_space<vmem>>
    %dma_start3A_12 = tpu.memref_squeeze %dma_start3A_11 : memref<1x128xi32, #tpu.memory_space<vmem>> -> memref<128xi32, #tpu.memory_space<vmem>>
    %dma_start3A_13 = arith.constant 0 : i32
    %dma_start3A_14 = arith.constant 0 : i32
    %dma_start3A_15 = tpu.memref_slice %arg3[%dma_start3A_13, %dma_start3A_14] : memref<1000000x64xf32, #tpu.memory_space<hbm>> -> memref<1000000x64xf32, #tpu.memory_space<hbm>>
    tpu.enqueue_indirect_dma source(%dma_start3A_15 : memref<1000000x64xf32, #tpu.memory_space<hbm>>) target(%arg9 : memref<128x64xf32, #tpu.memory_space<vmem>>) offsets(%dma_start3A_12 : memref<128xi32, #tpu.memory_space<vmem>>) semaphore(%arg13 : memref<!tpu.dma_semaphore, #tpu.memory_space<semaphore_mem>>)
    %dma_start3A_16 = arith.constant 2 : i32
    %dma_start3A_17 = arith.constant 0 : i32
    %dma_start3A_18 = tpu.memref_slice %arg6[%dma_start3A_16, %dma_start3A_17] : memref<200x128xi32, #tpu.memory_space<vmem>> -> memref<1x128xi32, #tpu.memory_space<vmem>>
    %dma_start3A_19 = tpu.memref_squeeze %dma_start3A_18 : memref<1x128xi32, #tpu.memory_space<vmem>> -> memref<128xi32, #tpu.memory_space<vmem>>
    %dma_start3A_20 = arith.constant 0 : i32
    %dma_start3A_21 = arith.constant 0 : i32
    %dma_start3A_22 = tpu.memref_slice %arg3[%dma_start3A_20, %dma_start3A_21] : memref<1000000x64xf32, #tpu.memory_space<hbm>> -> memref<1000000x64xf32, #tpu.memory_space<hbm>>
    tpu.enqueue_indirect_dma source(%dma_start3A_22 : memref<1000000x64xf32, #tpu.memory_space<hbm>>) target(%arg10 : memref<128x64xf32, #tpu.memory_space<vmem>>) offsets(%dma_start3A_19 : memref<128xi32, #tpu.memory_space<vmem>>) semaphore(%arg14 : memref<!tpu.dma_semaphore, #tpu.memory_space<semaphore_mem>>)
    %scan3A = arith.constant 0 : i32
    %scan3A_23 = arith.constant 0 : i32
    %scan3A_24 = arith.constant 50 : i32
    %scan3A_25 = arith.addi %scan3A_23, %scan3A_24 : i32
    %scan3A_26 = arith.constant 1 : i32
    scf.for %scan3A_55 = %scan3A_23 to %scan3A_25 step %scan3A_26  : i32 {
      %mul3A_56 = arith.constant 4 : i32
      %mul3A_57 = arith.muli %scan3A_55, %mul3A_56 : i32
      %add3A_58 = arith.constant 0 : i32
      %add3A_59 = arith.addi %mul3A_57, %add3A_58 : i32
      %add3A_60 = arith.constant 4 : i32
      %add3A_61 = arith.addi %add3A_59, %add3A_60 : i32
      %sub3A = arith.constant 1 : i32
      %sub3A_62 = arith.subi %add3A_61, %sub3A : i32
      %ge3A = arith.constant 4 : i32
      %ge3A_63 = arith.cmpi sge, %sub3A_62, %ge3A : i32
      %lt3A = arith.constant 200 : i32
      %lt3A_64 = arith.cmpi slt, %sub3A_62, %lt3A : i32
      %and3A = arith.andi %ge3A_63, %lt3A_64 : i1
      %convert_element_type3A = arith.extui %and3A : i1 to i32
      %cond3A = arith.constant 0 : i32
      %cond3A_65 = arith.cmpi ne, %convert_element_type3A, %cond3A : i32
      scf.if %cond3A_65 {
        %dma_wait3A_281 = arith.constant 0 : i32
        %dma_wait3A_282 = arith.constant 0 : i32
        %dma_wait3A_283 = tpu.memref_slice %arg5[%dma_wait3A_281, %mul3A_2, %dma_wait3A_282] : memref<200x4096x64xf32, #tpu.memory_space<hbm>> -> memref<1x128x64xf32, #tpu.memory_space<hbm>>
        %dma_wait3A_284 = tpu.memref_squeeze %dma_wait3A_283 : memref<1x128x64xf32, #tpu.memory_space<hbm>> -> memref<128x64xf32, #tpu.memory_space<hbm>>
        %dma_wait3A_285 = arith.constant 0 : i32
        %dma_wait3A_286 = tpu.memref_slice %arg5[%dma_wait3A_281, %mul3A_2, %dma_wait3A_285] : memref<200x4096x64xf32, #tpu.memory_space<hbm>> -> memref<1x128x64xf32, #tpu.memory_space<hbm>>
        %dma_wait3A_287 = tpu.memref_squeeze %dma_wait3A_286 : memref<1x128x64xf32, #tpu.memory_space<hbm>> -> memref<128x64xf32, #tpu.memory_space<hbm>>
        tpu.wait_dma2 semaphore(%arg19 : memref<!tpu.dma_semaphore, #tpu.memory_space<semaphore_mem>>) src(%arg11 : memref<128x64xf32, #tpu.memory_space<vmem>>) dst(%dma_wait3A_287 : memref<128x64xf32, #tpu.memory_space<hbm>>)
        %dma_start3A_288 = arith.constant 0 : i32
        %dma_start3A_289 = tpu.memref_slice %arg6[%sub3A_62, %dma_start3A_288] : memref<200x128xi32, #tpu.memory_space<vmem>> -> memref<1x128xi32, #tpu.memory_space<vmem>>
        %dma_start3A_290 = tpu.memref_squeeze %dma_start3A_289 : memref<1x128xi32, #tpu.memory_space<vmem>> -> memref<128xi32, #tpu.memory_space<vmem>>
        %dma_start3A_291 = arith.constant 0 : i32
        %dma_start3A_292 = arith.constant 0 : i32
        %dma_start3A_293 = tpu.memref_slice %arg3[%dma_start3A_291, %dma_start3A_292] : memref<1000000x64xf32, #tpu.memory_space<hbm>> -> memref<1000000x64xf32, #tpu.memory_space<hbm>>
        tpu.enqueue_indirect_dma source(%dma_start3A_293 : memref<1000000x64xf32, #tpu.memory_space<hbm>>) target(%arg11 : memref<128x64xf32, #tpu.memory_space<vmem>>) offsets(%dma_start3A_290 : memref<128xi32, #tpu.memory_space<vmem>>) semaphore(%arg15 : memref<!tpu.dma_semaphore, #tpu.memory_space<semaphore_mem>>)
      } else {
      }
      %lt3A_66 = arith.constant 4 : i32
      %lt3A_67 = arith.cmpi slt, %sub3A_62, %lt3A_66 : i32
      %lt3A_68 = arith.constant 200 : i32
      %lt3A_69 = arith.cmpi slt, %sub3A_62, %lt3A_68 : i32
      %and3A_70 = arith.andi %lt3A_67, %lt3A_69 : i1
      %convert_element_type3A_71 = arith.extui %and3A_70 : i1 to i32
      %cond3A_72 = arith.constant 0 : i32
      %cond3A_73 = arith.cmpi ne, %convert_element_type3A_71, %cond3A_72 : i32
      scf.if %cond3A_73 {
        %dma_start3A_281 = arith.constant 0 : i32
        %dma_start3A_282 = tpu.memref_slice %arg6[%sub3A_62, %dma_start3A_281] : memref<200x128xi32, #tpu.memory_space<vmem>> -> memref<1x128xi32, #tpu.memory_space<vmem>>
        %dma_start3A_283 = tpu.memref_squeeze %dma_start3A_282 : memref<1x128xi32, #tpu.memory_space<vmem>> -> memref<128xi32, #tpu.memory_space<vmem>>
        %dma_start3A_284 = arith.constant 0 : i32
        %dma_start3A_285 = arith.constant 0 : i32
        %dma_start3A_286 = tpu.memref_slice %arg3[%dma_start3A_284, %dma_start3A_285] : memref<1000000x64xf32, #tpu.memory_space<hbm>> -> memref<1000000x64xf32, #tpu.memory_space<hbm>>
        tpu.enqueue_indirect_dma source(%dma_start3A_286 : memref<1000000x64xf32, #tpu.memory_space<hbm>>) target(%arg11 : memref<128x64xf32, #tpu.memory_space<vmem>>) offsets(%dma_start3A_283 : memref<128xi32, #tpu.memory_space<vmem>>) semaphore(%arg15 : memref<!tpu.dma_semaphore, #tpu.memory_space<semaphore_mem>>)
      } else {
      }
      %dma_wait3A_74 = arith.constant 0 : i32
      %dma_wait3A_75 = arith.constant 0 : i32
      %dma_wait3A_76 = tpu.memref_slice %arg3[%dma_wait3A_74, %dma_wait3A_75] : memref<1000000x64xf32, #tpu.memory_space<hbm>> -> memref<128x64xf32, #tpu.memory_space<hbm>>
      %dma_wait3A_77 = arith.constant 0 : i32
      %dma_wait3A_78 = arith.constant 0 : i32
      %dma_wait3A_79 = tpu.memref_slice %arg3[%dma_wait3A_77, %dma_wait3A_78] : memref<1000000x64xf32, #tpu.memory_space<hbm>> -> memref<128x64xf32, #tpu.memory_space<hbm>>
      tpu.wait_dma2 semaphore(%arg12 : memref<!tpu.dma_semaphore, #tpu.memory_space<semaphore_mem>>) src(%dma_wait3A_79 : memref<128x64xf32, #tpu.memory_space<hbm>>) dst(%arg8 : memref<128x64xf32, #tpu.memory_space<vmem>>)
      %get3A = arith.index_cast %add3A_59 : i32 to index
      %get3A_80 = arith.constant 0 : index
      %get3A_81 = tpu.vector_load %arg7[%get3A, %get3A_80] {strides = array<i32>} : memref<200x64xf32, #tpu.memory_space<vmem>>, vector<1x16xf32>,
      %get3A_82 = vector.shape_cast %get3A_81 : vector<1x16xf32> to vector<16xf32>
      %get3A_83 = arith.index_cast %add3A_59 : i32 to index
      %get3A_84 = arith.constant 16 : index
      %get3A_85 = tpu.vector_load %arg7[%get3A_83, %get3A_84] {strides = array<i32>} : memref<200x64xf32, #tpu.memory_space<vmem>>, vector<1x16xf32>,
      %get3A_86 = vector.shape_cast %get3A_85 : vector<1x16xf32> to vector<16xf32>
      %get3A_87 = arith.index_cast %add3A_59 : i32 to index
      %get3A_88 = arith.constant 32 : index
      %get3A_89 = tpu.vector_load %arg7[%get3A_87, %get3A_88] {strides = array<i32>} : memref<200x64xf32, #tpu.memory_space<vmem>>, vector<1x16xf32>,
      %get3A_90 = vector.shape_cast %get3A_89 : vector<1x16xf32> to vector<16xf32>
      %get3A_91 = arith.index_cast %add3A_59 : i32 to index
      %get3A_92 = arith.constant 48 : index
      %get3A_93 = tpu.vector_load %arg7[%get3A_91, %get3A_92] {strides = array<i32>} : memref<200x64xf32, #tpu.memory_space<vmem>>, vector<1x16xf32>,
      %get3A_94 = vector.shape_cast %get3A_93 : vector<1x16xf32> to vector<16xf32>
      %scan3A_95 = arith.constant 0 : i32
      %scan3A_96 = arith.constant 0 : i32
      %scan3A_97 = arith.constant 128 : i32
      %scan3A_98 = arith.addi %scan3A_96, %scan3A_97 : i32
      %scan3A_99 = arith.constant 4 : i32
      scf.for %scan3A_281 = %scan3A_96 to %scan3A_98 step %scan3A_99  : i32 {
        %get3A_282 = arith.index_cast %scan3A_281 : i32 to index
        %get3A_283 = arith.constant 0 : index
        %get3A_284 = tpu.vector_load %arg8[%get3A_282, %get3A_283] {strides = array<i32>} : memref<128x64xf32, #tpu.memory_space<vmem>>, vector<1x16xf32>,
        %get3A_285 = vector.shape_cast %get3A_284 : vector<1x16xf32> to vector<16xf32>
        %add3A_286 = arith.addf %get3A_285, %get3A_82 : vector<16xf32>
        %swap3A = arith.index_cast %scan3A_281 : i32 to index
        %swap3A_287 = arith.constant 0 : index
        %swap3A_288 = tpu.vector_load %arg8[%swap3A, %swap3A_287] {strides = array<i32>} : memref<128x64xf32, #tpu.memory_space<vmem>>, vector<1x16xf32>,
        %swap3A_289 = vector.shape_cast %swap3A_288 : vector<1x16xf32> to vector<16xf32>
        %swap3A_290 = vector.shape_cast %add3A_286 : vector<16xf32> to vector<1x16xf32>
        tpu.vector_store %arg8[%swap3A, %swap3A_287], %swap3A_290 {strides = array<i32>} : memref<128x64xf32, #tpu.memory_space<vmem>>, vector<1x16xf32>,
        %get3A_291 = arith.index_cast %scan3A_281 : i32 to index
        %get3A_292 = arith.constant 16 : index
        %get3A_293 = tpu.vector_load %arg8[%get3A_291, %get3A_292] {strides = array<i32>} : memref<128x64xf32, #tpu.memory_space<vmem>>, vector<1x16xf32>,
        %get3A_294 = vector.shape_cast %get3A_293 : vector<1x16xf32> to vector<16xf32>
        %add3A_295 = arith.addf %get3A_294, %get3A_86 : vector<16xf32>
        %swap3A_296 = arith.index_cast %scan3A_281 : i32 to index
        %swap3A_297 = arith.constant 16 : index
        %swap3A_298 = tpu.vector_load %arg8[%swap3A_296, %swap3A_297] {strides = array<i32>} : memref<128x64xf32, #tpu.memory_space<vmem>>, vector<1x16xf32>,
        %swap3A_299 = vector.shape_cast %swap3A_298 : vector<1x16xf32> to vector<16xf32>
        %swap3A_300 = vector.shape_cast %add3A_295 : vector<16xf32> to vector<1x16xf32>
        tpu.vector_store %arg8[%swap3A_296, %swap3A_297], %swap3A_300 {strides = array<i32>} : memref<128x64xf32, #tpu.memory_space<vmem>>, vector<1x16xf32>,
        %get3A_301 = arith.index_cast %scan3A_281 : i32 to index
        %get3A_302 = arith.constant 32 : index
        %get3A_303 = tpu.vector_load %arg8[%get3A_301, %get3A_302] {strides = array<i32>} : memref<128x64xf32, #tpu.memory_space<vmem>>, vector<1x16xf32>,
        %get3A_304 = vector.shape_cast %get3A_303 : vector<1x16xf32> to vector<16xf32>
        %add3A_305 = arith.addf %get3A_304, %get3A_90 : vector<16xf32>
        %swap3A_306 = arith.index_cast %scan3A_281 : i32 to index
        %swap3A_307 = arith.constant 32 : index
        %swap3A_308 = tpu.vector_load %arg8[%swap3A_306, %swap3A_307] {strides = array<i32>} : memref<128x64xf32, #tpu.memory_space<vmem>>, vector<1x16xf32>,
        %swap3A_309 = vector.shape_cast %swap3A_308 : vector<1x16xf32> to vector<16xf32>
        %swap3A_310 = vector.shape_cast %add3A_305 : vector<16xf32> to vector<1x16xf32>
        tpu.vector_store %arg8[%swap3A_306, %swap3A_307], %swap3A_310 {strides = array<i32>} : memref<128x64xf32, #tpu.memory_space<vmem>>, vector<1x16xf32>,
        %get3A_311 = arith.index_cast %scan3A_281 : i32 to index
        %get3A_312 = arith.constant 48 : index
        %get3A_313 = tpu.vector_load %arg8[%get3A_311, %get3A_312] {strides = array<i32>} : memref<128x64xf32, #tpu.memory_space<vmem>>, vector<1x16xf32>,
        %get3A_314 = vector.shape_cast %get3A_313 : vector<1x16xf32> to vector<16xf32>
        %add3A_315 = arith.addf %get3A_314, %get3A_94 : vector<16xf32>
        %swap3A_316 = arith.index_cast %scan3A_281 : i32 to index
        %swap3A_317 = arith.constant 48 : index
        %swap3A_318 = tpu.vector_load %arg8[%swap3A_316, %swap3A_317] {strides = array<i32>} : memref<128x64xf32, #tpu.memory_space<vmem>>, vector<1x16xf32>,
        %swap3A_319 = vector.shape_cast %swap3A_318 : vector<1x16xf32> to vector<16xf32>
        %swap3A_320 = vector.shape_cast %add3A_315 : vector<16xf32> to vector<1x16xf32>
        tpu.vector_store %arg8[%swap3A_316, %swap3A_317], %swap3A_320 {strides = array<i32>} : memref<128x64xf32, #tpu.memory_space<vmem>>, vector<1x16xf32>,
        %scan3A_321 = arith.constant 1 : i32
        %scan3A_322 = arith.addi %scan3A_281, %scan3A_321 : i32
        %get3A_323 = arith.index_cast %scan3A_322 : i32 to index
        %get3A_324 = arith.constant 0 : index
        %get3A_325 = tpu.vector_load %arg8[%get3A_323, %get3A_324] {strides = array<i32>} : memref<128x64xf32, #tpu.memory_space<vmem>>, vector<1x16xf32>,
        %get3A_326 = vector.shape_cast %get3A_325 : vector<1x16xf32> to vector<16xf32>
        %add3A_327 = arith.addf %get3A_326, %get3A_82 : vector<16xf32>
        %swap3A_328 = arith.index_cast %scan3A_322 : i32 to index
        %swap3A_329 = arith.constant 0 : index
        %swap3A_330 = tpu.vector_load %arg8[%swap3A_328, %swap3A_329] {strides = array<i32>} : memref<128x64xf32, #tpu.memory_space<vmem>>, vector<1x16xf32>,
        %swap3A_331 = vector.shape_cast %swap3A_330 : vector<1x16xf32> to vector<16xf32>
        %swap3A_332 = vector.shape_cast %add3A_327 : vector<16xf32> to vector<1x16xf32>
        tpu.vector_store %arg8[%swap3A_328, %swap3A_329], %swap3A_332 {strides = array<i32>} : memref<128x64xf32, #tpu.memory_space<vmem>>, vector<1x16xf32>,
        %get3A_333 = arith.index_cast %scan3A_322 : i32 to index
        %get3A_334 = arith.constant 16 : index
        %get3A_335 = tpu.vector_load %arg8[%get3A_333, %get3A_334] {strides = array<i32>} : memref<128x64xf32, #tpu.memory_space<vmem>>, vector<1x16xf32>,
        %get3A_336 = vector.shape_cast %get3A_335 : vector<1x16xf32> to vector<16xf32>
        %add3A_337 = arith.addf %get3A_336, %get3A_86 : vector<16xf32>
        %swap3A_338 = arith.index_cast %scan3A_322 : i32 to index
        %swap3A_339 = arith.constant 16 : index
        %swap3A_340 = tpu.vector_load %arg8[%swap3A_338, %swap3A_339] {strides = array<i32>} : memref<128x64xf32, #tpu.memory_space<vmem>>, vector<1x16xf32>,
        %swap3A_341 = vector.shape_cast %swap3A_340 : vector<1x16xf32> to vector<16xf32>
        %swap3A_342 = vector.shape_cast %add3A_337 : vector<16xf32> to vector<1x16xf32>
        tpu.vector_store %arg8[%swap3A_338, %swap3A_339], %swap3A_342 {strides = array<i32>} : memref<128x64xf32, #tpu.memory_space<vmem>>, vector<1x16xf32>,
        %get3A_343 = arith.index_cast %scan3A_322 : i32 to index
        %get3A_344 = arith.constant 32 : index
        %get3A_345 = tpu.vector_load %arg8[%get3A_343, %get3A_344] {strides = array<i32>} : memref<128x64xf32, #tpu.memory_space<vmem>>, vector<1x16xf32>,
        %get3A_346 = vector.shape_cast %get3A_345 : vector<1x16xf32> to vector<16xf32>
        %add3A_347 = arith.addf %get3A_346, %get3A_90 : vector<16xf32>
        %swap3A_348 = arith.index_cast %scan3A_322 : i32 to index
        %swap3A_349 = arith.constant 32 : index
        %swap3A_350 = tpu.vector_load %arg8[%swap3A_348, %swap3A_349] {strides = array<i32>} : memref<128x64xf32, #tpu.memory_space<vmem>>, vector<1x16xf32>,
        %swap3A_351 = vector.shape_cast %swap3A_350 : vector<1x16xf32> to vector<16xf32>
        %swap3A_352 = vector.shape_cast %add3A_347 : vector<16xf32> to vector<1x16xf32>
        tpu.vector_store %arg8[%swap3A_348, %swap3A_349], %swap3A_352 {strides = array<i32>} : memref<128x64xf32, #tpu.memory_space<vmem>>, vector<1x16xf32>,
        %get3A_353 = arith.index_cast %scan3A_322 : i32 to index
        %get3A_354 = arith.constant 48 : index
        %get3A_355 = tpu.vector_load %arg8[%get3A_353, %get3A_354] {strides = array<i32>} : memref<128x64xf32, #tpu.memory_space<vmem>>, vector<1x16xf32>,
        %get3A_356 = vector.shape_cast %get3A_355 : vector<1x16xf32> to vector<16xf32>
        %add3A_357 = arith.addf %get3A_356, %get3A_94 : vector<16xf32>
        %swap3A_358 = arith.index_cast %scan3A_322 : i32 to index
        %swap3A_359 = arith.constant 48 : index
        %swap3A_360 = tpu.vector_load %arg8[%swap3A_358, %swap3A_359] {strides = array<i32>} : memref<128x64xf32, #tpu.memory_space<vmem>>, vector<1x16xf32>,
        %swap3A_361 = vector.shape_cast %swap3A_360 : vector<1x16xf32> to vector<16xf32>
        %swap3A_362 = vector.shape_cast %add3A_357 : vector<16xf32> to vector<1x16xf32>
        tpu.vector_store %arg8[%swap3A_358, %swap3A_359], %swap3A_362 {strides = array<i32>} : memref<128x64xf32, #tpu.memory_space<vmem>>, vector<1x16xf32>,
        %scan3A_363 = arith.constant 2 : i32
        %scan3A_364 = arith.addi %scan3A_281, %scan3A_363 : i32
        %get3A_365 = arith.index_cast %scan3A_364 : i32 to index
        %get3A_366 = arith.constant 0 : index
        %get3A_367 = tpu.vector_load %arg8[%get3A_365, %get3A_366] {strides = array<i32>} : memref<128x64xf32, #tpu.memory_space<vmem>>, vector<1x16xf32>,
        %get3A_368 = vector.shape_cast %get3A_367 : vector<1x16xf32> to vector<16xf32>
        %add3A_369 = arith.addf %get3A_368, %get3A_82 : vector<16xf32>
        %swap3A_370 = arith.index_cast %scan3A_364 : i32 to index
        %swap3A_371 = arith.constant 0 : index
        %swap3A_372 = tpu.vector_load %arg8[%swap3A_370, %swap3A_371] {strides = array<i32>} : memref<128x64xf32, #tpu.memory_space<vmem>>, vector<1x16xf32>,
        %swap3A_373 = vector.shape_cast %swap3A_372 : vector<1x16xf32> to vector<16xf32>
        %swap3A_374 = vector.shape_cast %add3A_369 : vector<16xf32> to vector<1x16xf32>
        tpu.vector_store %arg8[%swap3A_370, %swap3A_371], %swap3A_374 {strides = array<i32>} : memref<128x64xf32, #tpu.memory_space<vmem>>, vector<1x16xf32>,
        %get3A_375 = arith.index_cast %scan3A_364 : i32 to index
        %get3A_376 = arith.constant 16 : index
        %get3A_377 = tpu.vector_load %arg8[%get3A_375, %get3A_376] {strides = array<i32>} : memref<128x64xf32, #tpu.memory_space<vmem>>, vector<1x16xf32>,
        %get3A_378 = vector.shape_cast %get3A_377 : vector<1x16xf32> to vector<16xf32>
        %add3A_379 = arith.addf %get3A_378, %get3A_86 : vector<16xf32>
        %swap3A_380 = arith.index_cast %scan3A_364 : i32 to index
        %swap3A_381 = arith.constant 16 : index
        %swap3A_382 = tpu.vector_load %arg8[%swap3A_380, %swap3A_381] {strides = array<i32>} : memref<128x64xf32, #tpu.memory_space<vmem>>, vector<1x16xf32>,
        %swap3A_383 = vector.shape_cast %swap3A_382 : vector<1x16xf32> to vector<16xf32>
        %swap3A_384 = vector.shape_cast %add3A_379 : vector<16xf32> to vector<1x16xf32>
        tpu.vector_store %arg8[%swap3A_380, %swap3A_381], %swap3A_384 {strides = array<i32>} : memref<128x64xf32, #tpu.memory_space<vmem>>, vector<1x16xf32>,
        %get3A_385 = arith.index_cast %scan3A_364 : i32 to index
        %get3A_386 = arith.constant 32 : index
        %get3A_387 = tpu.vector_load %arg8[%get3A_385, %get3A_386] {strides = array<i32>} : memref<128x64xf32, #tpu.memory_space<vmem>>, vector<1x16xf32>,
        %get3A_388 = vector.shape_cast %get3A_387 : vector<1x16xf32> to vector<16xf32>
        %add3A_389 = arith.addf %get3A_388, %get3A_90 : vector<16xf32>
        %swap3A_390 = arith.index_cast %scan3A_364 : i32 to index
        %swap3A_391 = arith.constant 32 : index
        %swap3A_392 = tpu.vector_load %arg8[%swap3A_390, %swap3A_391] {strides = array<i32>} : memref<128x64xf32, #tpu.memory_space<vmem>>, vector<1x16xf32>,
        %swap3A_393 = vector.shape_cast %swap3A_392 : vector<1x16xf32> to vector<16xf32>
        %swap3A_394 = vector.shape_cast %add3A_389 : vector<16xf32> to vector<1x16xf32>
        tpu.vector_store %arg8[%swap3A_390, %swap3A_391], %swap3A_394 {strides = array<i32>} : memref<128x64xf32, #tpu.memory_space<vmem>>, vector<1x16xf32>,
        %get3A_395 = arith.index_cast %scan3A_364 : i32 to index
        %get3A_396 = arith.constant 48 : index
        %get3A_397 = tpu.vector_load %arg8[%get3A_395, %get3A_396] {strides = array<i32>} : memref<128x64xf32, #tpu.memory_space<vmem>>, vector<1x16xf32>,
        %get3A_398 = vector.shape_cast %get3A_397 : vector<1x16xf32> to vector<16xf32>
        %add3A_399 = arith.addf %get3A_398, %get3A_94 : vector<16xf32>
        %swap3A_400 = arith.index_cast %scan3A_364 : i32 to index
        %swap3A_401 = arith.constant 48 : index
        %swap3A_402 = tpu.vector_load %arg8[%swap3A_400, %swap3A_401] {strides = array<i32>} : memref<128x64xf32, #tpu.memory_space<vmem>>, vector<1x16xf32>,
        %swap3A_403 = vector.shape_cast %swap3A_402 : vector<1x16xf32> to vector<16xf32>
        %swap3A_404 = vector.shape_cast %add3A_399 : vector<16xf32> to vector<1x16xf32>
        tpu.vector_store %arg8[%swap3A_400, %swap3A_401], %swap3A_404 {strides = array<i32>} : memref<128x64xf32, #tpu.memory_space<vmem>>, vector<1x16xf32>,
        %scan3A_405 = arith.constant 3 : i32
        %scan3A_406 = arith.addi %scan3A_281, %scan3A_405 : i32
        %get3A_407 = arith.index_cast %scan3A_406 : i32 to index
        %get3A_408 = arith.constant 0 : index
        %get3A_409 = tpu.vector_load %arg8[%get3A_407, %get3A_408] {strides = array<i32>} : memref<128x64xf32, #tpu.memory_space<vmem>>, vector<1x16xf32>,
        %get3A_410 = vector.shape_cast %get3A_409 : vector<1x16xf32> to vector<16xf32>
        %add3A_411 = arith.addf %get3A_410, %get3A_82 : vector<16xf32>
        %swap3A_412 = arith.index_cast %scan3A_406 : i32 to index
        %swap3A_413 = arith.constant 0 : index
        %swap3A_414 = tpu.vector_load %arg8[%swap3A_412, %swap3A_413] {strides = array<i32>} : memref<128x64xf32, #tpu.memory_space<vmem>>, vector<1x16xf32>,
        %swap3A_415 = vector.shape_cast %swap3A_414 : vector<1x16xf32> to vector<16xf32>
        %swap3A_416 = vector.shape_cast %add3A_411 : vector<16xf32> to vector<1x16xf32>
        tpu.vector_store %arg8[%swap3A_412, %swap3A_413], %swap3A_416 {strides = array<i32>} : memref<128x64xf32, #tpu.memory_space<vmem>>, vector<1x16xf32>,
        %get3A_417 = arith.index_cast %scan3A_406 : i32 to index
        %get3A_418 = arith.constant 16 : index
        %get3A_419 = tpu.vector_load %arg8[%get3A_417, %get3A_418] {strides = array<i32>} : memref<128x64xf32, #tpu.memory_space<vmem>>, vector<1x16xf32>,
        %get3A_420 = vector.shape_cast %get3A_419 : vector<1x16xf32> to vector<16xf32>
        %add3A_421 = arith.addf %get3A_420, %get3A_86 : vector<16xf32>
        %swap3A_422 = arith.index_cast %scan3A_406 : i32 to index
        %swap3A_423 = arith.constant 16 : index
        %swap3A_424 = tpu.vector_load %arg8[%swap3A_422, %swap3A_423] {strides = array<i32>} : memref<128x64xf32, #tpu.memory_space<vmem>>, vector<1x16xf32>,
        %swap3A_425 = vector.shape_cast %swap3A_424 : vector<1x16xf32> to vector<16xf32>
        %swap3A_426 = vector.shape_cast %add3A_421 : vector<16xf32> to vector<1x16xf32>
        tpu.vector_store %arg8[%swap3A_422, %swap3A_423], %swap3A_426 {strides = array<i32>} : memref<128x64xf32, #tpu.memory_space<vmem>>, vector<1x16xf32>,
        %get3A_427 = arith.index_cast %scan3A_406 : i32 to index
        %get3A_428 = arith.constant 32 : index
        %get3A_429 = tpu.vector_load %arg8[%get3A_427, %get3A_428] {strides = array<i32>} : memref<128x64xf32, #tpu.memory_space<vmem>>, vector<1x16xf32>,
        %get3A_430 = vector.shape_cast %get3A_429 : vector<1x16xf32> to vector<16xf32>
        %add3A_431 = arith.addf %get3A_430, %get3A_90 : vector<16xf32>
        %swap3A_432 = arith.index_cast %scan3A_406 : i32 to index
        %swap3A_433 = arith.constant 32 : index
        %swap3A_434 = tpu.vector_load %arg8[%swap3A_432, %swap3A_433] {strides = array<i32>} : memref<128x64xf32, #tpu.memory_space<vmem>>, vector<1x16xf32>,
        %swap3A_435 = vector.shape_cast %swap3A_434 : vector<1x16xf32> to vector<16xf32>
        %swap3A_436 = vector.shape_cast %add3A_431 : vector<16xf32> to vector<1x16xf32>
        tpu.vector_store %arg8[%swap3A_432, %swap3A_433], %swap3A_436 {strides = array<i32>} : memref<128x64xf32, #tpu.memory_space<vmem>>, vector<1x16xf32>,
        %get3A_437 = arith.index_cast %scan3A_406 : i32 to index
        %get3A_438 = arith.constant 48 : index
        %get3A_439 = tpu.vector_load %arg8[%get3A_437, %get3A_438] {strides = array<i32>} : memref<128x64xf32, #tpu.memory_space<vmem>>, vector<1x16xf32>,
        %get3A_440 = vector.shape_cast %get3A_439 : vector<1x16xf32> to vector<16xf32>
        %add3A_441 = arith.addf %get3A_440, %get3A_94 : vector<16xf32>
        %swap3A_442 = arith.index_cast %scan3A_406 : i32 to index
        %swap3A_443 = arith.constant 48 : index
        %swap3A_444 = tpu.vector_load %arg8[%swap3A_442, %swap3A_443] {strides = array<i32>} : memref<128x64xf32, #tpu.memory_space<vmem>>, vector<1x16xf32>,
        %swap3A_445 = vector.shape_cast %swap3A_444 : vector<1x16xf32> to vector<16xf32>
        %swap3A_446 = vector.shape_cast %add3A_441 : vector<16xf32> to vector<1x16xf32>
        tpu.vector_store %arg8[%swap3A_442, %swap3A_443], %swap3A_446 {strides = array<i32>} : memref<128x64xf32, #tpu.memory_space<vmem>>, vector<1x16xf32>,
      }
      %scan3A_100 = arith.constant 128 : i32
      %dma_start3A_101 = arith.constant 0 : i32
      %dma_start3A_102 = tpu.memref_slice %arg5[%add3A_59, %mul3A_2, %dma_start3A_101] : memref<200x4096x64xf32, #tpu.memory_space<hbm>> -> memref<1x128x64xf32, #tpu.memory_space<hbm>>
      %dma_start3A_103 = tpu.memref_squeeze %dma_start3A_102 : memref<1x128x64xf32, #tpu.memory_space<hbm>> -> memref<128x64xf32, #tpu.memory_space<hbm>>
      %dma_start3A_104 = arith.constant 0 : i32
      %dma_start3A_105 = tpu.memref_slice %arg5[%add3A_59, %mul3A_2, %dma_start3A_104] : memref<200x4096x64xf32, #tpu.memory_space<hbm>> -> memref<1x128x64xf32, #tpu.memory_space<hbm>>
      %dma_start3A_106 = tpu.memref_squeeze %dma_start3A_105 : memref<1x128x64xf32, #tpu.memory_space<hbm>> -> memref<128x64xf32, #tpu.memory_space<hbm>>
      tpu.enqueue_dma source(%arg8 : memref<128x64xf32, #tpu.memory_space<vmem>>) target(%dma_start3A_106 : memref<128x64xf32, #tpu.memory_space<hbm>>) target_semaphore(%arg16 : memref<!tpu.dma_semaphore, #tpu.memory_space<semaphore_mem>>)
      %mul3A_107 = arith.constant 4 : i32
      %mul3A_108 = arith.muli %scan3A_55, %mul3A_107 : i32
      %add3A_109 = arith.constant 1 : i32
      %add3A_110 = arith.addi %mul3A_108, %add3A_109 : i32
      %add3A_111 = arith.constant 4 : i32
      %add3A_112 = arith.addi %add3A_110, %add3A_111 : i32
      %sub3A_113 = arith.constant 1 : i32
      %sub3A_114 = arith.subi %add3A_112, %sub3A_113 : i32
      %ge3A_115 = arith.constant 4 : i32
      %ge3A_116 = arith.cmpi sge, %sub3A_114, %ge3A_115 : i32
      %lt3A_117 = arith.constant 200 : i32
      %lt3A_118 = arith.cmpi slt, %sub3A_114, %lt3A_117 : i32
      %and3A_119 = arith.andi %ge3A_116, %lt3A_118 : i1
      %convert_element_type3A_120 = arith.extui %and3A_119 : i1 to i32
      %cond3A_121 = arith.constant 0 : i32
      %cond3A_122 = arith.cmpi ne, %convert_element_type3A_120, %cond3A_121 : i32
      scf.if %cond3A_122 {
        %dma_wait3A_281 = arith.constant 0 : i32
        %dma_wait3A_282 = arith.constant 0 : i32
        %dma_wait3A_283 = tpu.memref_slice %arg5[%dma_wait3A_281, %mul3A_2, %dma_wait3A_282] : memref<200x4096x64xf32, #tpu.memory_space<hbm>> -> memref<1x128x64xf32, #tpu.memory_space<hbm>>
        %dma_wait3A_284 = tpu.memref_squeeze %dma_wait3A_283 : memref<1x128x64xf32, #tpu.memory_space<hbm>> -> memref<128x64xf32, #tpu.memory_space<hbm>>
        %dma_wait3A_285 = arith.constant 0 : i32
        %dma_wait3A_286 = tpu.memref_slice %arg5[%dma_wait3A_281, %mul3A_2, %dma_wait3A_285] : memref<200x4096x64xf32, #tpu.memory_space<hbm>> -> memref<1x128x64xf32, #tpu.memory_space<hbm>>
        %dma_wait3A_287 = tpu.memref_squeeze %dma_wait3A_286 : memref<1x128x64xf32, #tpu.memory_space<hbm>> -> memref<128x64xf32, #tpu.memory_space<hbm>>
        tpu.wait_dma2 semaphore(%arg16 : memref<!tpu.dma_semaphore, #tpu.memory_space<semaphore_mem>>) src(%arg8 : memref<128x64xf32, #tpu.memory_space<vmem>>) dst(%dma_wait3A_287 : memref<128x64xf32, #tpu.memory_space<hbm>>)
        %dma_start3A_288 = arith.constant 0 : i32
        %dma_start3A_289 = tpu.memref_slice %arg6[%sub3A_114, %dma_start3A_288] : memref<200x128xi32, #tpu.memory_space<vmem>> -> memref<1x128xi32, #tpu.memory_space<vmem>>
        %dma_start3A_290 = tpu.memref_squeeze %dma_start3A_289 : memref<1x128xi32, #tpu.memory_space<vmem>> -> memref<128xi32, #tpu.memory_space<vmem>>
        %dma_start3A_291 = arith.constant 0 : i32
        %dma_start3A_292 = arith.constant 0 : i32
        %dma_start3A_293 = tpu.memref_slice %arg3[%dma_start3A_291, %dma_start3A_292] : memref<1000000x64xf32, #tpu.memory_space<hbm>> -> memref<1000000x64xf32, #tpu.memory_space<hbm>>
        tpu.enqueue_indirect_dma source(%dma_start3A_293 : memref<1000000x64xf32, #tpu.memory_space<hbm>>) target(%arg8 : memref<128x64xf32, #tpu.memory_space<vmem>>) offsets(%dma_start3A_290 : memref<128xi32, #tpu.memory_space<vmem>>) semaphore(%arg12 : memref<!tpu.dma_semaphore, #tpu.memory_space<semaphore_mem>>)
      } else {
      }
      %lt3A_123 = arith.constant 4 : i32
      %lt3A_124 = arith.cmpi slt, %sub3A_114, %lt3A_123 : i32
      %lt3A_125 = arith.constant 200 : i32
      %lt3A_126 = arith.cmpi slt, %sub3A_114, %lt3A_125 : i32
      %and3A_127 = arith.andi %lt3A_124, %lt3A_126 : i1
      %convert_element_type3A_128 = arith.extui %and3A_127 : i1 to i32
      %cond3A_129 = arith.constant 0 : i32
      %cond3A_130 = arith.cmpi ne, %convert_element_type3A_128, %cond3A_129 : i32
      scf.if %cond3A_130 {
        %dma_start3A_281 = arith.constant 0 : i32
        %dma_start3A_282 = tpu.memref_slice %arg6[%sub3A_114, %dma_start3A_281] : memref<200x128xi32, #tpu.memory_space<vmem>> -> memref<1x128xi32, #tpu.memory_space<vmem>>
        %dma_start3A_283 = tpu.memref_squeeze %dma_start3A_282 : memref<1x128xi32, #tpu.memory_space<vmem>> -> memref<128xi32, #tpu.memory_space<vmem>>
        %dma_start3A_284 = arith.constant 0 : i32
        %dma_start3A_285 = arith.constant 0 : i32
        %dma_start3A_286 = tpu.memref_slice %arg3[%dma_start3A_284, %dma_start3A_285] : memref<1000000x64xf32, #tpu.memory_space<hbm>> -> memref<1000000x64xf32, #tpu.memory_space<hbm>>
        tpu.enqueue_indirect_dma source(%dma_start3A_286 : memref<1000000x64xf32, #tpu.memory_space<hbm>>) target(%arg8 : memref<128x64xf32, #tpu.memory_space<vmem>>) offsets(%dma_start3A_283 : memref<128xi32, #tpu.memory_space<vmem>>) semaphore(%arg12 : memref<!tpu.dma_semaphore, #tpu.memory_space<semaphore_mem>>)
      } else {
      }
      %dma_wait3A_131 = arith.constant 0 : i32
      %dma_wait3A_132 = arith.constant 0 : i32
      %dma_wait3A_133 = tpu.memref_slice %arg3[%dma_wait3A_131, %dma_wait3A_132] : memref<1000000x64xf32, #tpu.memory_space<hbm>> -> memref<128x64xf32, #tpu.memory_space<hbm>>
      %dma_wait3A_134 = arith.constant 0 : i32
      %dma_wait3A_135 = arith.constant 0 : i32
      %dma_wait3A_136 = tpu.memref_slice %arg3[%dma_wait3A_134, %dma_wait3A_135] : memref<1000000x64xf32, #tpu.memory_space<hbm>> -> memref<128x64xf32, #tpu.memory_space<hbm>>
      tpu.wait_dma2 semaphore(%arg13 : memref<!tpu.dma_semaphore, #tpu.memory_space<semaphore_mem>>) src(%dma_wait3A_136 : memref<128x64xf32, #tpu.memory_space<hbm>>) dst(%arg9 : memref<128x64xf32, #tpu.memory_space<vmem>>)
      %get3A_137 = arith.index_cast %add3A_110 : i32 to index
      %get3A_138 = arith.constant 0 : index
      %get3A_139 = tpu.vector_load %arg7[%get3A_137, %get3A_138] {strides = array<i32>} : memref<200x64xf32, #tpu.memory_space<vmem>>, vector<1x16xf32>,
      %get3A_140 = vector.shape_cast %get3A_139 : vector<1x16xf32> to vector<16xf32>
      %get3A_141 = arith.index_cast %add3A_110 : i32 to index
      %get3A_142 = arith.constant 16 : index
      %get3A_143 = tpu.vector_load %arg7[%get3A_141, %get3A_142] {strides = array<i32>} : memref<200x64xf32, #tpu.memory_space<vmem>>, vector<1x16xf32>,
      %get3A_144 = vector.shape_cast %get3A_143 : vector<1x16xf32> to vector<16xf32>
      %get3A_145 = arith.index_cast %add3A_110 : i32 to index
      %get3A_146 = arith.constant 32 : index
      %get3A_147 = tpu.vector_load %arg7[%get3A_145, %get3A_146] {strides = array<i32>} : memref<200x64xf32, #tpu.memory_space<vmem>>, vector<1x16xf32>,
      %get3A_148 = vector.shape_cast %get3A_147 : vector<1x16xf32> to vector<16xf32>
      %get3A_149 = arith.index_cast %add3A_110 : i32 to index
      %get3A_150 = arith.constant 48 : index
      %get3A_151 = tpu.vector_load %arg7[%get3A_149, %get3A_150] {strides = array<i32>} : memref<200x64xf32, #tpu.memory_space<vmem>>, vector<1x16xf32>,
      %get3A_152 = vector.shape_cast %get3A_151 : vector<1x16xf32> to vector<16xf32>
      %scan3A_153 = arith.constant 0 : i32
      %scan3A_154 = arith.constant 0 : i32
      %scan3A_155 = arith.constant 128 : i32
      %scan3A_156 = arith.addi %scan3A_154, %scan3A_155 : i32
      %scan3A_157 = arith.constant 4 : i32
      scf.for %scan3A_281 = %scan3A_154 to %scan3A_156 step %scan3A_157  : i32 {
        %get3A_282 = arith.index_cast %scan3A_281 : i32 to index
        %get3A_283 = arith.constant 0 : index
        %get3A_284 = tpu.vector_load %arg9[%get3A_282, %get3A_283] {strides = array<i32>} : memref<128x64xf32, #tpu.memory_space<vmem>>, vector<1x16xf32>,
        %get3A_285 = vector.shape_cast %get3A_284 : vector<1x16xf32> to vector<16xf32>
        %add3A_286 = arith.addf %get3A_285, %get3A_140 : vector<16xf32>
        %swap3A = arith.index_cast %scan3A_281 : i32 to index
        %swap3A_287 = arith.constant 0 : index
        %swap3A_288 = tpu.vector_load %arg9[%swap3A, %swap3A_287] {strides = array<i32>} : memref<128x64xf32, #tpu.memory_space<vmem>>, vector<1x16xf32>,
        %swap3A_289 = vector.shape_cast %swap3A_288 : vector<1x16xf32> to vector<16xf32>
        %swap3A_290 = vector.shape_cast %add3A_286 : vector<16xf32> to vector<1x16xf32>
        tpu.vector_store %arg9[%swap3A, %swap3A_287], %swap3A_290 {strides = array<i32>} : memref<128x64xf32, #tpu.memory_space<vmem>>, vector<1x16xf32>,
        %get3A_291 = arith.index_cast %scan3A_281 : i32 to index
        %get3A_292 = arith.constant 16 : index
        %get3A_293 = tpu.vector_load %arg9[%get3A_291, %get3A_292] {strides = array<i32>} : memref<128x64xf32, #tpu.memory_space<vmem>>, vector<1x16xf32>,
        %get3A_294 = vector.shape_cast %get3A_293 : vector<1x16xf32> to vector<16xf32>
        %add3A_295 = arith.addf %get3A_294, %get3A_144 : vector<16xf32>
        %swap3A_296 = arith.index_cast %scan3A_281 : i32 to index
        %swap3A_297 = arith.constant 16 : index
        %swap3A_298 = tpu.vector_load %arg9[%swap3A_296, %swap3A_297] {strides = array<i32>} : memref<128x64xf32, #tpu.memory_space<vmem>>, vector<1x16xf32>,
        %swap3A_299 = vector.shape_cast %swap3A_298 : vector<1x16xf32> to vector<16xf32>
        %swap3A_300 = vector.shape_cast %add3A_295 : vector<16xf32> to vector<1x16xf32>
        tpu.vector_store %arg9[%swap3A_296, %swap3A_297], %swap3A_300 {strides = array<i32>} : memref<128x64xf32, #tpu.memory_space<vmem>>, vector<1x16xf32>,
        %get3A_301 = arith.index_cast %scan3A_281 : i32 to index
        %get3A_302 = arith.constant 32 : index
        %get3A_303 = tpu.vector_load %arg9[%get3A_301, %get3A_302] {strides = array<i32>} : memref<128x64xf32, #tpu.memory_space<vmem>>, vector<1x16xf32>,
        %get3A_304 = vector.shape_cast %get3A_303 : vector<1x16xf32> to vector<16xf32>
        %add3A_305 = arith.addf %get3A_304, %get3A_148 : vector<16xf32>
        %swap3A_306 = arith.index_cast %scan3A_281 : i32 to index
        %swap3A_307 = arith.constant 32 : index
        %swap3A_308 = tpu.vector_load %arg9[%swap3A_306, %swap3A_307] {strides = array<i32>} : memref<128x64xf32, #tpu.memory_space<vmem>>, vector<1x16xf32>,
        %swap3A_309 = vector.shape_cast %swap3A_308 : vector<1x16xf32> to vector<16xf32>
        %swap3A_310 = vector.shape_cast %add3A_305 : vector<16xf32> to vector<1x16xf32>
        tpu.vector_store %arg9[%swap3A_306, %swap3A_307], %swap3A_310 {strides = array<i32>} : memref<128x64xf32, #tpu.memory_space<vmem>>, vector<1x16xf32>,
        %get3A_311 = arith.index_cast %scan3A_281 : i32 to index
        %get3A_312 = arith.constant 48 : index
        %get3A_313 = tpu.vector_load %arg9[%get3A_311, %get3A_312] {strides = array<i32>} : memref<128x64xf32, #tpu.memory_space<vmem>>, vector<1x16xf32>,
        %get3A_314 = vector.shape_cast %get3A_313 : vector<1x16xf32> to vector<16xf32>
        %add3A_315 = arith.addf %get3A_314, %get3A_152 : vector<16xf32>
        %swap3A_316 = arith.index_cast %scan3A_281 : i32 to index
        %swap3A_317 = arith.constant 48 : index
        %swap3A_318 = tpu.vector_load %arg9[%swap3A_316, %swap3A_317] {strides = array<i32>} : memref<128x64xf32, #tpu.memory_space<vmem>>, vector<1x16xf32>,
        %swap3A_319 = vector.shape_cast %swap3A_318 : vector<1x16xf32> to vector<16xf32>
        %swap3A_320 = vector.shape_cast %add3A_315 : vector<16xf32> to vector<1x16xf32>
        tpu.vector_store %arg9[%swap3A_316, %swap3A_317], %swap3A_320 {strides = array<i32>} : memref<128x64xf32, #tpu.memory_space<vmem>>, vector<1x16xf32>,
        %scan3A_321 = arith.constant 1 : i32
        %scan3A_322 = arith.addi %scan3A_281, %scan3A_321 : i32
        %get3A_323 = arith.index_cast %scan3A_322 : i32 to index
        %get3A_324 = arith.constant 0 : index
        %get3A_325 = tpu.vector_load %arg9[%get3A_323, %get3A_324] {strides = array<i32>} : memref<128x64xf32, #tpu.memory_space<vmem>>, vector<1x16xf32>,
        %get3A_326 = vector.shape_cast %get3A_325 : vector<1x16xf32> to vector<16xf32>
        %add3A_327 = arith.addf %get3A_326, %get3A_140 : vector<16xf32>
        %swap3A_328 = arith.index_cast %scan3A_322 : i32 to index
        %swap3A_329 = arith.constant 0 : index
        %swap3A_330 = tpu.vector_load %arg9[%swap3A_328, %swap3A_329] {strides = array<i32>} : memref<128x64xf32, #tpu.memory_space<vmem>>, vector<1x16xf32>,
        %swap3A_331 = vector.shape_cast %swap3A_330 : vector<1x16xf32> to vector<16xf32>
        %swap3A_332 = vector.shape_cast %add3A_327 : vector<16xf32> to vector<1x16xf32>
        tpu.vector_store %arg9[%swap3A_328, %swap3A_329], %swap3A_332 {strides = array<i32>} : memref<128x64xf32, #tpu.memory_space<vmem>>, vector<1x16xf32>,
        %get3A_333 = arith.index_cast %scan3A_322 : i32 to index
        %get3A_334 = arith.constant 16 : index
        %get3A_335 = tpu.vector_load %arg9[%get3A_333, %get3A_334] {strides = array<i32>} : memref<128x64xf32, #tpu.memory_space<vmem>>, vector<1x16xf32>,
        %get3A_336 = vector.shape_cast %get3A_335 : vector<1x16xf32> to vector<16xf32>
        %add3A_337 = arith.addf %get3A_336, %get3A_144 : vector<16xf32>
        %swap3A_338 = arith.index_cast %scan3A_322 : i32 to index
        %swap3A_339 = arith.constant 16 : index
        %swap3A_340 = tpu.vector_load %arg9[%swap3A_338, %swap3A_339] {strides = array<i32>} : memref<128x64xf32, #tpu.memory_space<vmem>>, vector<1x16xf32>,
        %swap3A_341 = vector.shape_cast %swap3A_340 : vector<1x16xf32> to vector<16xf32>
        %swap3A_342 = vector.shape_cast %add3A_337 : vector<16xf32> to vector<1x16xf32>
        tpu.vector_store %arg9[%swap3A_338, %swap3A_339], %swap3A_342 {strides = array<i32>} : memref<128x64xf32, #tpu.memory_space<vmem>>, vector<1x16xf32>,
        %get3A_343 = arith.index_cast %scan3A_322 : i32 to index
        %get3A_344 = arith.constant 32 : index
        %get3A_345 = tpu.vector_load %arg9[%get3A_343, %get3A_344] {strides = array<i32>} : memref<128x64xf32, #tpu.memory_space<vmem>>, vector<1x16xf32>,
        %get3A_346 = vector.shape_cast %get3A_345 : vector<1x16xf32> to vector<16xf32>
        %add3A_347 = arith.addf %get3A_346, %get3A_148 : vector<16xf32>
        %swap3A_348 = arith.index_cast %scan3A_322 : i32 to index
        %swap3A_349 = arith.constant 32 : index
        %swap3A_350 = tpu.vector_load %arg9[%swap3A_348, %swap3A_349] {strides = array<i32>} : memref<128x64xf32, #tpu.memory_space<vmem>>, vector<1x16xf32>,
        %swap3A_351 = vector.shape_cast %swap3A_350 : vector<1x16xf32> to vector<16xf32>
        %swap3A_352 = vector.shape_cast %add3A_347 : vector<16xf32> to vector<1x16xf32>
        tpu.vector_store %arg9[%swap3A_348, %swap3A_349], %swap3A_352 {strides = array<i32>} : memref<128x64xf32, #tpu.memory_space<vmem>>, vector<1x16xf32>,
        %get3A_353 = arith.index_cast %scan3A_322 : i32 to index
        %get3A_354 = arith.constant 48 : index
        %get3A_355 = tpu.vector_load %arg9[%get3A_353, %get3A_354] {strides = array<i32>} : memref<128x64xf32, #tpu.memory_space<vmem>>, vector<1x16xf32>,
        %get3A_356 = vector.shape_cast %get3A_355 : vector<1x16xf32> to vector<16xf32>
        %add3A_357 = arith.addf %get3A_356, %get3A_152 : vector<16xf32>
        %swap3A_358 = arith.index_cast %scan3A_322 : i32 to index
        %swap3A_359 = arith.constant 48 : index
        %swap3A_360 = tpu.vector_load %arg9[%swap3A_358, %swap3A_359] {strides = array<i32>} : memref<128x64xf32, #tpu.memory_space<vmem>>, vector<1x16xf32>,
        %swap3A_361 = vector.shape_cast %swap3A_360 : vector<1x16xf32> to vector<16xf32>
        %swap3A_362 = vector.shape_cast %add3A_357 : vector<16xf32> to vector<1x16xf32>
        tpu.vector_store %arg9[%swap3A_358, %swap3A_359], %swap3A_362 {strides = array<i32>} : memref<128x64xf32, #tpu.memory_space<vmem>>, vector<1x16xf32>,
        %scan3A_363 = arith.constant 2 : i32
        %scan3A_364 = arith.addi %scan3A_281, %scan3A_363 : i32
        %get3A_365 = arith.index_cast %scan3A_364 : i32 to index
        %get3A_366 = arith.constant 0 : index
        %get3A_367 = tpu.vector_load %arg9[%get3A_365, %get3A_366] {strides = array<i32>} : memref<128x64xf32, #tpu.memory_space<vmem>>, vector<1x16xf32>,
        %get3A_368 = vector.shape_cast %get3A_367 : vector<1x16xf32> to vector<16xf32>
        %add3A_369 = arith.addf %get3A_368, %get3A_140 : vector<16xf32>
        %swap3A_370 = arith.index_cast %scan3A_364 : i32 to index
        %swap3A_371 = arith.constant 0 : index
        %swap3A_372 = tpu.vector_load %arg9[%swap3A_370, %swap3A_371] {strides = array<i32>} : memref<128x64xf32, #tpu.memory_space<vmem>>, vector<1x16xf32>,
        %swap3A_373 = vector.shape_cast %swap3A_372 : vector<1x16xf32> to vector<16xf32>
        %swap3A_374 = vector.shape_cast %add3A_369 : vector<16xf32> to vector<1x16xf32>
        tpu.vector_store %arg9[%swap3A_370, %swap3A_371], %swap3A_374 {strides = array<i32>} : memref<128x64xf32, #tpu.memory_space<vmem>>, vector<1x16xf32>,
        %get3A_375 = arith.index_cast %scan3A_364 : i32 to index
        %get3A_376 = arith.constant 16 : index
        %get3A_377 = tpu.vector_load %arg9[%get3A_375, %get3A_376] {strides = array<i32>} : memref<128x64xf32, #tpu.memory_space<vmem>>, vector<1x16xf32>,
        %get3A_378 = vector.shape_cast %get3A_377 : vector<1x16xf32> to vector<16xf32>
        %add3A_379 = arith.addf %get3A_378, %get3A_144 : vector<16xf32>
        %swap3A_380 = arith.index_cast %scan3A_364 : i32 to index
        %swap3A_381 = arith.constant 16 : index
        %swap3A_382 = tpu.vector_load %arg9[%swap3A_380, %swap3A_381] {strides = array<i32>} : memref<128x64xf32, #tpu.memory_space<vmem>>, vector<1x16xf32>,
        %swap3A_383 = vector.shape_cast %swap3A_382 : vector<1x16xf32> to vector<16xf32>
        %swap3A_384 = vector.shape_cast %add3A_379 : vector<16xf32> to vector<1x16xf32>
        tpu.vector_store %arg9[%swap3A_380, %swap3A_381], %swap3A_384 {strides = array<i32>} : memref<128x64xf32, #tpu.memory_space<vmem>>, vector<1x16xf32>,
        %get3A_385 = arith.index_cast %scan3A_364 : i32 to index
        %get3A_386 = arith.constant 32 : index
        %get3A_387 = tpu.vector_load %arg9[%get3A_385, %get3A_386] {strides = array<i32>} : memref<128x64xf32, #tpu.memory_space<vmem>>, vector<1x16xf32>,
        %get3A_388 = vector.shape_cast %get3A_387 : vector<1x16xf32> to vector<16xf32>
        %add3A_389 = arith.addf %get3A_388, %get3A_148 : vector<16xf32>
        %swap3A_390 = arith.index_cast %scan3A_364 : i32 to index
        %swap3A_391 = arith.constant 32 : index
        %swap3A_392 = tpu.vector_load %arg9[%swap3A_390, %swap3A_391] {strides = array<i32>} : memref<128x64xf32, #tpu.memory_space<vmem>>, vector<1x16xf32>,
        %swap3A_393 = vector.shape_cast %swap3A_392 : vector<1x16xf32> to vector<16xf32>
        %swap3A_394 = vector.shape_cast %add3A_389 : vector<16xf32> to vector<1x16xf32>
        tpu.vector_store %arg9[%swap3A_390, %swap3A_391], %swap3A_394 {strides = array<i32>} : memref<128x64xf32, #tpu.memory_space<vmem>>, vector<1x16xf32>,
        %get3A_395 = arith.index_cast %scan3A_364 : i32 to index
        %get3A_396 = arith.constant 48 : index
        %get3A_397 = tpu.vector_load %arg9[%get3A_395, %get3A_396] {strides = array<i32>} : memref<128x64xf32, #tpu.memory_space<vmem>>, vector<1x16xf32>,
        %get3A_398 = vector.shape_cast %get3A_397 : vector<1x16xf32> to vector<16xf32>
        %add3A_399 = arith.addf %get3A_398, %get3A_152 : vector<16xf32>
        %swap3A_400 = arith.index_cast %scan3A_364 : i32 to index
        %swap3A_401 = arith.constant 48 : index
        %swap3A_402 = tpu.vector_load %arg9[%swap3A_400, %swap3A_401] {strides = array<i32>} : memref<128x64xf32, #tpu.memory_space<vmem>>, vector<1x16xf32>,
        %swap3A_403 = vector.shape_cast %swap3A_402 : vector<1x16xf32> to vector<16xf32>
        %swap3A_404 = vector.shape_cast %add3A_399 : vector<16xf32> to vector<1x16xf32>
        tpu.vector_store %arg9[%swap3A_400, %swap3A_401], %swap3A_404 {strides = array<i32>} : memref<128x64xf32, #tpu.memory_space<vmem>>, vector<1x16xf32>,
        %scan3A_405 = arith.constant 3 : i32
        %scan3A_406 = arith.addi %scan3A_281, %scan3A_405 : i32
        %get3A_407 = arith.index_cast %scan3A_406 : i32 to index
        %get3A_408 = arith.constant 0 : index
        %get3A_409 = tpu.vector_load %arg9[%get3A_407, %get3A_408] {strides = array<i32>} : memref<128x64xf32, #tpu.memory_space<vmem>>, vector<1x16xf32>,
        %get3A_410 = vector.shape_cast %get3A_409 : vector<1x16xf32> to vector<16xf32>
        %add3A_411 = arith.addf %get3A_410, %get3A_140 : vector<16xf32>
        %swap3A_412 = arith.index_cast %scan3A_406 : i32 to index
        %swap3A_413 = arith.constant 0 : index
        %swap3A_414 = tpu.vector_load %arg9[%swap3A_412, %swap3A_413] {strides = array<i32>} : memref<128x64xf32, #tpu.memory_space<vmem>>, vector<1x16xf32>,
        %swap3A_415 = vector.shape_cast %swap3A_414 : vector<1x16xf32> to vector<16xf32>
        %swap3A_416 = vector.shape_cast %add3A_411 : vector<16xf32> to vector<1x16xf32>
        tpu.vector_store %arg9[%swap3A_412, %swap3A_413], %swap3A_416 {strides = array<i32>} : memref<128x64xf32, #tpu.memory_space<vmem>>, vector<1x16xf32>,
        %get3A_417 = arith.index_cast %scan3A_406 : i32 to index
        %get3A_418 = arith.constant 16 : index
        %get3A_419 = tpu.vector_load %arg9[%get3A_417, %get3A_418] {strides = array<i32>} : memref<128x64xf32, #tpu.memory_space<vmem>>, vector<1x16xf32>,
        %get3A_420 = vector.shape_cast %get3A_419 : vector<1x16xf32> to vector<16xf32>
        %add3A_421 = arith.addf %get3A_420, %get3A_144 : vector<16xf32>
        %swap3A_422 = arith.index_cast %scan3A_406 : i32 to index
        %swap3A_423 = arith.constant 16 : index
        %swap3A_424 = tpu.vector_load %arg9[%swap3A_422, %swap3A_423] {strides = array<i32>} : memref<128x64xf32, #tpu.memory_space<vmem>>, vector<1x16xf32>,
        %swap3A_425 = vector.shape_cast %swap3A_424 : vector<1x16xf32> to vector<16xf32>
        %swap3A_426 = vector.shape_cast %add3A_421 : vector<16xf32> to vector<1x16xf32>
        tpu.vector_store %arg9[%swap3A_422, %swap3A_423], %swap3A_426 {strides = array<i32>} : memref<128x64xf32, #tpu.memory_space<vmem>>, vector<1x16xf32>,
        %get3A_427 = arith.index_cast %scan3A_406 : i32 to index
        %get3A_428 = arith.constant 32 : index
        %get3A_429 = tpu.vector_load %arg9[%get3A_427, %get3A_428] {strides = array<i32>} : memref<128x64xf32, #tpu.memory_space<vmem>>, vector<1x16xf32>,
        %get3A_430 = vector.shape_cast %get3A_429 : vector<1x16xf32> to vector<16xf32>
        %add3A_431 = arith.addf %get3A_430, %get3A_148 : vector<16xf32>
        %swap3A_432 = arith.index_cast %scan3A_406 : i32 to index
        %swap3A_433 = arith.constant 32 : index
        %swap3A_434 = tpu.vector_load %arg9[%swap3A_432, %swap3A_433] {strides = array<i32>} : memref<128x64xf32, #tpu.memory_space<vmem>>, vector<1x16xf32>,
        %swap3A_435 = vector.shape_cast %swap3A_434 : vector<1x16xf32> to vector<16xf32>
        %swap3A_436 = vector.shape_cast %add3A_431 : vector<16xf32> to vector<1x16xf32>
        tpu.vector_store %arg9[%swap3A_432, %swap3A_433], %swap3A_436 {strides = array<i32>} : memref<128x64xf32, #tpu.memory_space<vmem>>, vector<1x16xf32>,
        %get3A_437 = arith.index_cast %scan3A_406 : i32 to index
        %get3A_438 = arith.constant 48 : index
        %get3A_439 = tpu.vector_load %arg9[%get3A_437, %get3A_438] {strides = array<i32>} : memref<128x64xf32, #tpu.memory_space<vmem>>, vector<1x16xf32>,
        %get3A_440 = vector.shape_cast %get3A_439 : vector<1x16xf32> to vector<16xf32>
        %add3A_441 = arith.addf %get3A_440, %get3A_152 : vector<16xf32>
        %swap3A_442 = arith.index_cast %scan3A_406 : i32 to index
        %swap3A_443 = arith.constant 48 : index
        %swap3A_444 = tpu.vector_load %arg9[%swap3A_442, %swap3A_443] {strides = array<i32>} : memref<128x64xf32, #tpu.memory_space<vmem>>, vector<1x16xf32>,
        %swap3A_445 = vector.shape_cast %swap3A_444 : vector<1x16xf32> to vector<16xf32>
        %swap3A_446 = vector.shape_cast %add3A_441 : vector<16xf32> to vector<1x16xf32>
        tpu.vector_store %arg9[%swap3A_442, %swap3A_443], %swap3A_446 {strides = array<i32>} : memref<128x64xf32, #tpu.memory_space<vmem>>, vector<1x16xf32>,
      }
      %scan3A_158 = arith.constant 128 : i32
      %dma_start3A_159 = arith.constant 0 : i32
      %dma_start3A_160 = tpu.memref_slice %arg5[%add3A_110, %mul3A_2, %dma_start3A_159] : memref<200x4096x64xf32, #tpu.memory_space<hbm>> -> memref<1x128x64xf32, #tpu.memory_space<hbm>>
      %dma_start3A_161 = tpu.memref_squeeze %dma_start3A_160 : memref<1x128x64xf32, #tpu.memory_space<hbm>> -> memref<128x64xf32, #tpu.memory_space<hbm>>
      %dma_start3A_162 = arith.constant 0 : i32
      %dma_start3A_163 = tpu.memref_slice %arg5[%add3A_110, %mul3A_2, %dma_start3A_162] : memref<200x4096x64xf32, #tpu.memory_space<hbm>> -> memref<1x128x64xf32, #tpu.memory_space<hbm>>
      %dma_start3A_164 = tpu.memref_squeeze %dma_start3A_163 : memref<1x128x64xf32, #tpu.memory_space<hbm>> -> memref<128x64xf32, #tpu.memory_space<hbm>>
      tpu.enqueue_dma source(%arg9 : memref<128x64xf32, #tpu.memory_space<vmem>>) target(%dma_start3A_164 : memref<128x64xf32, #tpu.memory_space<hbm>>) target_semaphore(%arg17 : memref<!tpu.dma_semaphore, #tpu.memory_space<semaphore_mem>>)
      %mul3A_165 = arith.constant 4 : i32
      %mul3A_166 = arith.muli %scan3A_55, %mul3A_165 : i32
      %add3A_167 = arith.constant 2 : i32
      %add3A_168 = arith.addi %mul3A_166, %add3A_167 : i32
      %add3A_169 = arith.constant 4 : i32
      %add3A_170 = arith.addi %add3A_168, %add3A_169 : i32
      %sub3A_171 = arith.constant 1 : i32
      %sub3A_172 = arith.subi %add3A_170, %sub3A_171 : i32
      %ge3A_173 = arith.constant 4 : i32
      %ge3A_174 = arith.cmpi sge, %sub3A_172, %ge3A_173 : i32
      %lt3A_175 = arith.constant 200 : i32
      %lt3A_176 = arith.cmpi slt, %sub3A_172, %lt3A_175 : i32
      %and3A_177 = arith.andi %ge3A_174, %lt3A_176 : i1
      %convert_element_type3A_178 = arith.extui %and3A_177 : i1 to i32
      %cond3A_179 = arith.constant 0 : i32
      %cond3A_180 = arith.cmpi ne, %convert_element_type3A_178, %cond3A_179 : i32
      scf.if %cond3A_180 {
        %dma_wait3A_281 = arith.constant 0 : i32
        %dma_wait3A_282 = arith.constant 0 : i32
        %dma_wait3A_283 = tpu.memref_slice %arg5[%dma_wait3A_281, %mul3A_2, %dma_wait3A_282] : memref<200x4096x64xf32, #tpu.memory_space<hbm>> -> memref<1x128x64xf32, #tpu.memory_space<hbm>>
        %dma_wait3A_284 = tpu.memref_squeeze %dma_wait3A_283 : memref<1x128x64xf32, #tpu.memory_space<hbm>> -> memref<128x64xf32, #tpu.memory_space<hbm>>
        %dma_wait3A_285 = arith.constant 0 : i32
        %dma_wait3A_286 = tpu.memref_slice %arg5[%dma_wait3A_281, %mul3A_2, %dma_wait3A_285] : memref<200x4096x64xf32, #tpu.memory_space<hbm>> -> memref<1x128x64xf32, #tpu.memory_space<hbm>>
        %dma_wait3A_287 = tpu.memref_squeeze %dma_wait3A_286 : memref<1x128x64xf32, #tpu.memory_space<hbm>> -> memref<128x64xf32, #tpu.memory_space<hbm>>
        tpu.wait_dma2 semaphore(%arg17 : memref<!tpu.dma_semaphore, #tpu.memory_space<semaphore_mem>>) src(%arg9 : memref<128x64xf32, #tpu.memory_space<vmem>>) dst(%dma_wait3A_287 : memref<128x64xf32, #tpu.memory_space<hbm>>)
        %dma_start3A_288 = arith.constant 0 : i32
        %dma_start3A_289 = tpu.memref_slice %arg6[%sub3A_172, %dma_start3A_288] : memref<200x128xi32, #tpu.memory_space<vmem>> -> memref<1x128xi32, #tpu.memory_space<vmem>>
        %dma_start3A_290 = tpu.memref_squeeze %dma_start3A_289 : memref<1x128xi32, #tpu.memory_space<vmem>> -> memref<128xi32, #tpu.memory_space<vmem>>
        %dma_start3A_291 = arith.constant 0 : i32
        %dma_start3A_292 = arith.constant 0 : i32
        %dma_start3A_293 = tpu.memref_slice %arg3[%dma_start3A_291, %dma_start3A_292] : memref<1000000x64xf32, #tpu.memory_space<hbm>> -> memref<1000000x64xf32, #tpu.memory_space<hbm>>
        tpu.enqueue_indirect_dma source(%dma_start3A_293 : memref<1000000x64xf32, #tpu.memory_space<hbm>>) target(%arg9 : memref<128x64xf32, #tpu.memory_space<vmem>>) offsets(%dma_start3A_290 : memref<128xi32, #tpu.memory_space<vmem>>) semaphore(%arg13 : memref<!tpu.dma_semaphore, #tpu.memory_space<semaphore_mem>>)
      } else {
      }
      %lt3A_181 = arith.constant 4 : i32
      %lt3A_182 = arith.cmpi slt, %sub3A_172, %lt3A_181 : i32
      %lt3A_183 = arith.constant 200 : i32
      %lt3A_184 = arith.cmpi slt, %sub3A_172, %lt3A_183 : i32
      %and3A_185 = arith.andi %lt3A_182, %lt3A_184 : i1
      %convert_element_type3A_186 = arith.extui %and3A_185 : i1 to i32
      %cond3A_187 = arith.constant 0 : i32
      %cond3A_188 = arith.cmpi ne, %convert_element_type3A_186, %cond3A_187 : i32
      scf.if %cond3A_188 {
        %dma_start3A_281 = arith.constant 0 : i32
        %dma_start3A_282 = tpu.memref_slice %arg6[%sub3A_172, %dma_start3A_281] : memref<200x128xi32, #tpu.memory_space<vmem>> -> memref<1x128xi32, #tpu.memory_space<vmem>>
        %dma_start3A_283 = tpu.memref_squeeze %dma_start3A_282 : memref<1x128xi32, #tpu.memory_space<vmem>> -> memref<128xi32, #tpu.memory_space<vmem>>
        %dma_start3A_284 = arith.constant 0 : i32
        %dma_start3A_285 = arith.constant 0 : i32
        %dma_start3A_286 = tpu.memref_slice %arg3[%dma_start3A_284, %dma_start3A_285] : memref<1000000x64xf32, #tpu.memory_space<hbm>> -> memref<1000000x64xf32, #tpu.memory_space<hbm>>
        tpu.enqueue_indirect_dma source(%dma_start3A_286 : memref<1000000x64xf32, #tpu.memory_space<hbm>>) target(%arg9 : memref<128x64xf32, #tpu.memory_space<vmem>>) offsets(%dma_start3A_283 : memref<128xi32, #tpu.memory_space<vmem>>) semaphore(%arg13 : memref<!tpu.dma_semaphore, #tpu.memory_space<semaphore_mem>>)
      } else {
      }
      %dma_wait3A_189 = arith.constant 0 : i32
      %dma_wait3A_190 = arith.constant 0 : i32
      %dma_wait3A_191 = tpu.memref_slice %arg3[%dma_wait3A_189, %dma_wait3A_190] : memref<1000000x64xf32, #tpu.memory_space<hbm>> -> memref<128x64xf32, #tpu.memory_space<hbm>>
      %dma_wait3A_192 = arith.constant 0 : i32
      %dma_wait3A_193 = arith.constant 0 : i32
      %dma_wait3A_194 = tpu.memref_slice %arg3[%dma_wait3A_192, %dma_wait3A_193] : memref<1000000x64xf32, #tpu.memory_space<hbm>> -> memref<128x64xf32, #tpu.memory_space<hbm>>
      tpu.wait_dma2 semaphore(%arg14 : memref<!tpu.dma_semaphore, #tpu.memory_space<semaphore_mem>>) src(%dma_wait3A_194 : memref<128x64xf32, #tpu.memory_space<hbm>>) dst(%arg10 : memref<128x64xf32, #tpu.memory_space<vmem>>)
      %get3A_195 = arith.index_cast %add3A_168 : i32 to index
      %get3A_196 = arith.constant 0 : index
      %get3A_197 = tpu.vector_load %arg7[%get3A_195, %get3A_196] {strides = array<i32>} : memref<200x64xf32, #tpu.memory_space<vmem>>, vector<1x16xf32>,
      %get3A_198 = vector.shape_cast %get3A_197 : vector<1x16xf32> to vector<16xf32>
      %get3A_199 = arith.index_cast %add3A_168 : i32 to index
      %get3A_200 = arith.constant 16 : index
      %get3A_201 = tpu.vector_load %arg7[%get3A_199, %get3A_200] {strides = array<i32>} : memref<200x64xf32, #tpu.memory_space<vmem>>, vector<1x16xf32>,
      %get3A_202 = vector.shape_cast %get3A_201 : vector<1x16xf32> to vector<16xf32>
      %get3A_203 = arith.index_cast %add3A_168 : i32 to index
      %get3A_204 = arith.constant 32 : index
      %get3A_205 = tpu.vector_load %arg7[%get3A_203, %get3A_204] {strides = array<i32>} : memref<200x64xf32, #tpu.memory_space<vmem>>, vector<1x16xf32>,
      %get3A_206 = vector.shape_cast %get3A_205 : vector<1x16xf32> to vector<16xf32>
      %get3A_207 = arith.index_cast %add3A_168 : i32 to index
      %get3A_208 = arith.constant 48 : index
      %get3A_209 = tpu.vector_load %arg7[%get3A_207, %get3A_208] {strides = array<i32>} : memref<200x64xf32, #tpu.memory_space<vmem>>, vector<1x16xf32>,
      %get3A_210 = vector.shape_cast %get3A_209 : vector<1x16xf32> to vector<16xf32>
      %scan3A_211 = arith.constant 0 : i32
      %scan3A_212 = arith.constant 0 : i32
      %scan3A_213 = arith.constant 128 : i32
      %scan3A_214 = arith.addi %scan3A_212, %scan3A_213 : i32
      %scan3A_215 = arith.constant 4 : i32
      scf.for %scan3A_281 = %scan3A_212 to %scan3A_214 step %scan3A_215  : i32 {
        %get3A_282 = arith.index_cast %scan3A_281 : i32 to index
        %get3A_283 = arith.constant 0 : index
        %get3A_284 = tpu.vector_load %arg10[%get3A_282, %get3A_283] {strides = array<i32>} : memref<128x64xf32, #tpu.memory_space<vmem>>, vector<1x16xf32>,
        %get3A_285 = vector.shape_cast %get3A_284 : vector<1x16xf32> to vector<16xf32>
        %add3A_286 = arith.addf %get3A_285, %get3A_198 : vector<16xf32>
        %swap3A = arith.index_cast %scan3A_281 : i32 to index
        %swap3A_287 = arith.constant 0 : index
        %swap3A_288 = tpu.vector_load %arg10[%swap3A, %swap3A_287] {strides = array<i32>} : memref<128x64xf32, #tpu.memory_space<vmem>>, vector<1x16xf32>,
        %swap3A_289 = vector.shape_cast %swap3A_288 : vector<1x16xf32> to vector<16xf32>
        %swap3A_290 = vector.shape_cast %add3A_286 : vector<16xf32> to vector<1x16xf32>
        tpu.vector_store %arg10[%swap3A, %swap3A_287], %swap3A_290 {strides = array<i32>} : memref<128x64xf32, #tpu.memory_space<vmem>>, vector<1x16xf32>,
        %get3A_291 = arith.index_cast %scan3A_281 : i32 to index
        %get3A_292 = arith.constant 16 : index
        %get3A_293 = tpu.vector_load %arg10[%get3A_291, %get3A_292] {strides = array<i32>} : memref<128x64xf32, #tpu.memory_space<vmem>>, vector<1x16xf32>,
        %get3A_294 = vector.shape_cast %get3A_293 : vector<1x16xf32> to vector<16xf32>
        %add3A_295 = arith.addf %get3A_294, %get3A_202 : vector<16xf32>
        %swap3A_296 = arith.index_cast %scan3A_281 : i32 to index
        %swap3A_297 = arith.constant 16 : index
        %swap3A_298 = tpu.vector_load %arg10[%swap3A_296, %swap3A_297] {strides = array<i32>} : memref<128x64xf32, #tpu.memory_space<vmem>>, vector<1x16xf32>,
        %swap3A_299 = vector.shape_cast %swap3A_298 : vector<1x16xf32> to vector<16xf32>
        %swap3A_300 = vector.shape_cast %add3A_295 : vector<16xf32> to vector<1x16xf32>
        tpu.vector_store %arg10[%swap3A_296, %swap3A_297], %swap3A_300 {strides = array<i32>} : memref<128x64xf32, #tpu.memory_space<vmem>>, vector<1x16xf32>,
        %get3A_301 = arith.index_cast %scan3A_281 : i32 to index
        %get3A_302 = arith.constant 32 : index
        %get3A_303 = tpu.vector_load %arg10[%get3A_301, %get3A_302] {strides = array<i32>} : memref<128x64xf32, #tpu.memory_space<vmem>>, vector<1x16xf32>,
        %get3A_304 = vector.shape_cast %get3A_303 : vector<1x16xf32> to vector<16xf32>
        %add3A_305 = arith.addf %get3A_304, %get3A_206 : vector<16xf32>
        %swap3A_306 = arith.index_cast %scan3A_281 : i32 to index
        %swap3A_307 = arith.constant 32 : index
        %swap3A_308 = tpu.vector_load %arg10[%swap3A_306, %swap3A_307] {strides = array<i32>} : memref<128x64xf32, #tpu.memory_space<vmem>>, vector<1x16xf32>,
        %swap3A_309 = vector.shape_cast %swap3A_308 : vector<1x16xf32> to vector<16xf32>
        %swap3A_310 = vector.shape_cast %add3A_305 : vector<16xf32> to vector<1x16xf32>
        tpu.vector_store %arg10[%swap3A_306, %swap3A_307], %swap3A_310 {strides = array<i32>} : memref<128x64xf32, #tpu.memory_space<vmem>>, vector<1x16xf32>,
        %get3A_311 = arith.index_cast %scan3A_281 : i32 to index
        %get3A_312 = arith.constant 48 : index
        %get3A_313 = tpu.vector_load %arg10[%get3A_311, %get3A_312] {strides = array<i32>} : memref<128x64xf32, #tpu.memory_space<vmem>>, vector<1x16xf32>,
        %get3A_314 = vector.shape_cast %get3A_313 : vector<1x16xf32> to vector<16xf32>
        %add3A_315 = arith.addf %get3A_314, %get3A_210 : vector<16xf32>
        %swap3A_316 = arith.index_cast %scan3A_281 : i32 to index
        %swap3A_317 = arith.constant 48 : index
        %swap3A_318 = tpu.vector_load %arg10[%swap3A_316, %swap3A_317] {strides = array<i32>} : memref<128x64xf32, #tpu.memory_space<vmem>>, vector<1x16xf32>,
        %swap3A_319 = vector.shape_cast %swap3A_318 : vector<1x16xf32> to vector<16xf32>
        %swap3A_320 = vector.shape_cast %add3A_315 : vector<16xf32> to vector<1x16xf32>
        tpu.vector_store %arg10[%swap3A_316, %swap3A_317], %swap3A_320 {strides = array<i32>} : memref<128x64xf32, #tpu.memory_space<vmem>>, vector<1x16xf32>,
        %scan3A_321 = arith.constant 1 : i32
        %scan3A_322 = arith.addi %scan3A_281, %scan3A_321 : i32
        %get3A_323 = arith.index_cast %scan3A_322 : i32 to index
        %get3A_324 = arith.constant 0 : index
        %get3A_325 = tpu.vector_load %arg10[%get3A_323, %get3A_324] {strides = array<i32>} : memref<128x64xf32, #tpu.memory_space<vmem>>, vector<1x16xf32>,
        %get3A_326 = vector.shape_cast %get3A_325 : vector<1x16xf32> to vector<16xf32>
        %add3A_327 = arith.addf %get3A_326, %get3A_198 : vector<16xf32>
        %swap3A_328 = arith.index_cast %scan3A_322 : i32 to index
        %swap3A_329 = arith.constant 0 : index
        %swap3A_330 = tpu.vector_load %arg10[%swap3A_328, %swap3A_329] {strides = array<i32>} : memref<128x64xf32, #tpu.memory_space<vmem>>, vector<1x16xf32>,
        %swap3A_331 = vector.shape_cast %swap3A_330 : vector<1x16xf32> to vector<16xf32>
        %swap3A_332 = vector.shape_cast %add3A_327 : vector<16xf32> to vector<1x16xf32>
        tpu.vector_store %arg10[%swap3A_328, %swap3A_329], %swap3A_332 {strides = array<i32>} : memref<128x64xf32, #tpu.memory_space<vmem>>, vector<1x16xf32>,
        %get3A_333 = arith.index_cast %scan3A_322 : i32 to index
        %get3A_334 = arith.constant 16 : index
        %get3A_335 = tpu.vector_load %arg10[%get3A_333, %get3A_334] {strides = array<i32>} : memref<128x64xf32, #tpu.memory_space<vmem>>, vector<1x16xf32>,
        %get3A_336 = vector.shape_cast %get3A_335 : vector<1x16xf32> to vector<16xf32>
        %add3A_337 = arith.addf %get3A_336, %get3A_202 : vector<16xf32>
        %swap3A_338 = arith.index_cast %scan3A_322 : i32 to index
        %swap3A_339 = arith.constant 16 : index
        %swap3A_340 = tpu.vector_load %arg10[%swap3A_338, %swap3A_339] {strides = array<i32>} : memref<128x64xf32, #tpu.memory_space<vmem>>, vector<1x16xf32>,
        %swap3A_341 = vector.shape_cast %swap3A_340 : vector<1x16xf32> to vector<16xf32>
        %swap3A_342 = vector.shape_cast %add3A_337 : vector<16xf32> to vector<1x16xf32>
        tpu.vector_store %arg10[%swap3A_338, %swap3A_339], %swap3A_342 {strides = array<i32>} : memref<128x64xf32, #tpu.memory_space<vmem>>, vector<1x16xf32>,
        %get3A_343 = arith.index_cast %scan3A_322 : i32 to index
        %get3A_344 = arith.constant 32 : index
        %get3A_345 = tpu.vector_load %arg10[%get3A_343, %get3A_344] {strides = array<i32>} : memref<128x64xf32, #tpu.memory_space<vmem>>, vector<1x16xf32>,
        %get3A_346 = vector.shape_cast %get3A_345 : vector<1x16xf32> to vector<16xf32>
        %add3A_347 = arith.addf %get3A_346, %get3A_206 : vector<16xf32>
        %swap3A_348 = arith.index_cast %scan3A_322 : i32 to index
        %swap3A_349 = arith.constant 32 : index
        %swap3A_350 = tpu.vector_load %arg10[%swap3A_348, %swap3A_349] {strides = array<i32>} : memref<128x64xf32, #tpu.memory_space<vmem>>, vector<1x16xf32>,
        %swap3A_351 = vector.shape_cast %swap3A_350 : vector<1x16xf32> to vector<16xf32>
        %swap3A_352 = vector.shape_cast %add3A_347 : vector<16xf32> to vector<1x16xf32>
        tpu.vector_store %arg10[%swap3A_348, %swap3A_349], %swap3A_352 {strides = array<i32>} : memref<128x64xf32, #tpu.memory_space<vmem>>, vector<1x16xf32>,
        %get3A_353 = arith.index_cast %scan3A_322 : i32 to index
        %get3A_354 = arith.constant 48 : index
        %get3A_355 = tpu.vector_load %arg10[%get3A_353, %get3A_354] {strides = array<i32>} : memref<128x64xf32, #tpu.memory_space<vmem>>, vector<1x16xf32>,
        %get3A_356 = vector.shape_cast %get3A_355 : vector<1x16xf32> to vector<16xf32>
        %add3A_357 = arith.addf %get3A_356, %get3A_210 : vector<16xf32>
        %swap3A_358 = arith.index_cast %scan3A_322 : i32 to index
        %swap3A_359 = arith.constant 48 : index
        %swap3A_360 = tpu.vector_load %arg10[%swap3A_358, %swap3A_359] {strides = array<i32>} : memref<128x64xf32, #tpu.memory_space<vmem>>, vector<1x16xf32>,
        %swap3A_361 = vector.shape_cast %swap3A_360 : vector<1x16xf32> to vector<16xf32>
        %swap3A_362 = vector.shape_cast %add3A_357 : vector<16xf32> to vector<1x16xf32>
        tpu.vector_store %arg10[%swap3A_358, %swap3A_359], %swap3A_362 {strides = array<i32>} : memref<128x64xf32, #tpu.memory_space<vmem>>, vector<1x16xf32>,
        %scan3A_363 = arith.constant 2 : i32
        %scan3A_364 = arith.addi %scan3A_281, %scan3A_363 : i32
        %get3A_365 = arith.index_cast %scan3A_364 : i32 to index
        %get3A_366 = arith.constant 0 : index
        %get3A_367 = tpu.vector_load %arg10[%get3A_365, %get3A_366] {strides = array<i32>} : memref<128x64xf32, #tpu.memory_space<vmem>>, vector<1x16xf32>,
        %get3A_368 = vector.shape_cast %get3A_367 : vector<1x16xf32> to vector<16xf32>
        %add3A_369 = arith.addf %get3A_368, %get3A_198 : vector<16xf32>
        %swap3A_370 = arith.index_cast %scan3A_364 : i32 to index
        %swap3A_371 = arith.constant 0 : index
        %swap3A_372 = tpu.vector_load %arg10[%swap3A_370, %swap3A_371] {strides = array<i32>} : memref<128x64xf32, #tpu.memory_space<vmem>>, vector<1x16xf32>,
        %swap3A_373 = vector.shape_cast %swap3A_372 : vector<1x16xf32> to vector<16xf32>
        %swap3A_374 = vector.shape_cast %add3A_369 : vector<16xf32> to vector<1x16xf32>
        tpu.vector_store %arg10[%swap3A_370, %swap3A_371], %swap3A_374 {strides = array<i32>} : memref<128x64xf32, #tpu.memory_space<vmem>>, vector<1x16xf32>,
        %get3A_375 = arith.index_cast %scan3A_364 : i32 to index
        %get3A_376 = arith.constant 16 : index
        %get3A_377 = tpu.vector_load %arg10[%get3A_375, %get3A_376] {strides = array<i32>} : memref<128x64xf32, #tpu.memory_space<vmem>>, vector<1x16xf32>,
        %get3A_378 = vector.shape_cast %get3A_377 : vector<1x16xf32> to vector<16xf32>
        %add3A_379 = arith.addf %get3A_378, %get3A_202 : vector<16xf32>
        %swap3A_380 = arith.index_cast %scan3A_364 : i32 to index
        %swap3A_381 = arith.constant 16 : index
        %swap3A_382 = tpu.vector_load %arg10[%swap3A_380, %swap3A_381] {strides = array<i32>} : memref<128x64xf32, #tpu.memory_space<vmem>>, vector<1x16xf32>,
        %swap3A_383 = vector.shape_cast %swap3A_382 : vector<1x16xf32> to vector<16xf32>
        %swap3A_384 = vector.shape_cast %add3A_379 : vector<16xf32> to vector<1x16xf32>
        tpu.vector_store %arg10[%swap3A_380, %swap3A_381], %swap3A_384 {strides = array<i32>} : memref<128x64xf32, #tpu.memory_space<vmem>>, vector<1x16xf32>,
        %get3A_385 = arith.index_cast %scan3A_364 : i32 to index
        %get3A_386 = arith.constant 32 : index
        %get3A_387 = tpu.vector_load %arg10[%get3A_385, %get3A_386] {strides = array<i32>} : memref<128x64xf32, #tpu.memory_space<vmem>>, vector<1x16xf32>,
        %get3A_388 = vector.shape_cast %get3A_387 : vector<1x16xf32> to vector<16xf32>
        %add3A_389 = arith.addf %get3A_388, %get3A_206 : vector<16xf32>
        %swap3A_390 = arith.index_cast %scan3A_364 : i32 to index
        %swap3A_391 = arith.constant 32 : index
        %swap3A_392 = tpu.vector_load %arg10[%swap3A_390, %swap3A_391] {strides = array<i32>} : memref<128x64xf32, #tpu.memory_space<vmem>>, vector<1x16xf32>,
        %swap3A_393 = vector.shape_cast %swap3A_392 : vector<1x16xf32> to vector<16xf32>
        %swap3A_394 = vector.shape_cast %add3A_389 : vector<16xf32> to vector<1x16xf32>
        tpu.vector_store %arg10[%swap3A_390, %swap3A_391], %swap3A_394 {strides = array<i32>} : memref<128x64xf32, #tpu.memory_space<vmem>>, vector<1x16xf32>,
        %get3A_395 = arith.index_cast %scan3A_364 : i32 to index
        %get3A_396 = arith.constant 48 : index
        %get3A_397 = tpu.vector_load %arg10[%get3A_395, %get3A_396] {strides = array<i32>} : memref<128x64xf32, #tpu.memory_space<vmem>>, vector<1x16xf32>,
        %get3A_398 = vector.shape_cast %get3A_397 : vector<1x16xf32> to vector<16xf32>
        %add3A_399 = arith.addf %get3A_398, %get3A_210 : vector<16xf32>
        %swap3A_400 = arith.index_cast %scan3A_364 : i32 to index
        %swap3A_401 = arith.constant 48 : index
        %swap3A_402 = tpu.vector_load %arg10[%swap3A_400, %swap3A_401] {strides = array<i32>} : memref<128x64xf32, #tpu.memory_space<vmem>>, vector<1x16xf32>,
        %swap3A_403 = vector.shape_cast %swap3A_402 : vector<1x16xf32> to vector<16xf32>
        %swap3A_404 = vector.shape_cast %add3A_399 : vector<16xf32> to vector<1x16xf32>
        tpu.vector_store %arg10[%swap3A_400, %swap3A_401], %swap3A_404 {strides = array<i32>} : memref<128x64xf32, #tpu.memory_space<vmem>>, vector<1x16xf32>,
        %scan3A_405 = arith.constant 3 : i32
        %scan3A_406 = arith.addi %scan3A_281, %scan3A_405 : i32
        %get3A_407 = arith.index_cast %scan3A_406 : i32 to index
        %get3A_408 = arith.constant 0 : index
        %get3A_409 = tpu.vector_load %arg10[%get3A_407, %get3A_408] {strides = array<i32>} : memref<128x64xf32, #tpu.memory_space<vmem>>, vector<1x16xf32>,
        %get3A_410 = vector.shape_cast %get3A_409 : vector<1x16xf32> to vector<16xf32>
        %add3A_411 = arith.addf %get3A_410, %get3A_198 : vector<16xf32>
        %swap3A_412 = arith.index_cast %scan3A_406 : i32 to index
        %swap3A_413 = arith.constant 0 : index
        %swap3A_414 = tpu.vector_load %arg10[%swap3A_412, %swap3A_413] {strides = array<i32>} : memref<128x64xf32, #tpu.memory_space<vmem>>, vector<1x16xf32>,
        %swap3A_415 = vector.shape_cast %swap3A_414 : vector<1x16xf32> to vector<16xf32>
        %swap3A_416 = vector.shape_cast %add3A_411 : vector<16xf32> to vector<1x16xf32>
        tpu.vector_store %arg10[%swap3A_412, %swap3A_413], %swap3A_416 {strides = array<i32>} : memref<128x64xf32, #tpu.memory_space<vmem>>, vector<1x16xf32>,
        %get3A_417 = arith.index_cast %scan3A_406 : i32 to index
        %get3A_418 = arith.constant 16 : index
        %get3A_419 = tpu.vector_load %arg10[%get3A_417, %get3A_418] {strides = array<i32>} : memref<128x64xf32, #tpu.memory_space<vmem>>, vector<1x16xf32>,
        %get3A_420 = vector.shape_cast %get3A_419 : vector<1x16xf32> to vector<16xf32>
        %add3A_421 = arith.addf %get3A_420, %get3A_202 : vector<16xf32>
        %swap3A_422 = arith.index_cast %scan3A_406 : i32 to index
        %swap3A_423 = arith.constant 16 : index
        %swap3A_424 = tpu.vector_load %arg10[%swap3A_422, %swap3A_423] {strides = array<i32>} : memref<128x64xf32, #tpu.memory_space<vmem>>, vector<1x16xf32>,
        %swap3A_425 = vector.shape_cast %swap3A_424 : vector<1x16xf32> to vector<16xf32>
        %swap3A_426 = vector.shape_cast %add3A_421 : vector<16xf32> to vector<1x16xf32>
        tpu.vector_store %arg10[%swap3A_422, %swap3A_423], %swap3A_426 {strides = array<i32>} : memref<128x64xf32, #tpu.memory_space<vmem>>, vector<1x16xf32>,
        %get3A_427 = arith.index_cast %scan3A_406 : i32 to index
        %get3A_428 = arith.constant 32 : index
        %get3A_429 = tpu.vector_load %arg10[%get3A_427, %get3A_428] {strides = array<i32>} : memref<128x64xf32, #tpu.memory_space<vmem>>, vector<1x16xf32>,
        %get3A_430 = vector.shape_cast %get3A_429 : vector<1x16xf32> to vector<16xf32>
        %add3A_431 = arith.addf %get3A_430, %get3A_206 : vector<16xf32>
        %swap3A_432 = arith.index_cast %scan3A_406 : i32 to index
        %swap3A_433 = arith.constant 32 : index
        %swap3A_434 = tpu.vector_load %arg10[%swap3A_432, %swap3A_433] {strides = array<i32>} : memref<128x64xf32, #tpu.memory_space<vmem>>, vector<1x16xf32>,
        %swap3A_435 = vector.shape_cast %swap3A_434 : vector<1x16xf32> to vector<16xf32>
        %swap3A_436 = vector.shape_cast %add3A_431 : vector<16xf32> to vector<1x16xf32>
        tpu.vector_store %arg10[%swap3A_432, %swap3A_433], %swap3A_436 {strides = array<i32>} : memref<128x64xf32, #tpu.memory_space<vmem>>, vector<1x16xf32>,
        %get3A_437 = arith.index_cast %scan3A_406 : i32 to index
        %get3A_438 = arith.constant 48 : index
        %get3A_439 = tpu.vector_load %arg10[%get3A_437, %get3A_438] {strides = array<i32>} : memref<128x64xf32, #tpu.memory_space<vmem>>, vector<1x16xf32>,
        %get3A_440 = vector.shape_cast %get3A_439 : vector<1x16xf32> to vector<16xf32>
        %add3A_441 = arith.addf %get3A_440, %get3A_210 : vector<16xf32>
        %swap3A_442 = arith.index_cast %scan3A_406 : i32 to index
        %swap3A_443 = arith.constant 48 : index
        %swap3A_444 = tpu.vector_load %arg10[%swap3A_442, %swap3A_443] {strides = array<i32>} : memref<128x64xf32, #tpu.memory_space<vmem>>, vector<1x16xf32>,
        %swap3A_445 = vector.shape_cast %swap3A_444 : vector<1x16xf32> to vector<16xf32>
        %swap3A_446 = vector.shape_cast %add3A_441 : vector<16xf32> to vector<1x16xf32>
        tpu.vector_store %arg10[%swap3A_442, %swap3A_443], %swap3A_446 {strides = array<i32>} : memref<128x64xf32, #tpu.memory_space<vmem>>, vector<1x16xf32>,
      }
      %scan3A_216 = arith.constant 128 : i32
      %dma_start3A_217 = arith.constant 0 : i32
      %dma_start3A_218 = tpu.memref_slice %arg5[%add3A_168, %mul3A_2, %dma_start3A_217] : memref<200x4096x64xf32, #tpu.memory_space<hbm>> -> memref<1x128x64xf32, #tpu.memory_space<hbm>>
      %dma_start3A_219 = tpu.memref_squeeze %dma_start3A_218 : memref<1x128x64xf32, #tpu.memory_space<hbm>> -> memref<128x64xf32, #tpu.memory_space<hbm>>
      %dma_start3A_220 = arith.constant 0 : i32
      %dma_start3A_221 = tpu.memref_slice %arg5[%add3A_168, %mul3A_2, %dma_start3A_220] : memref<200x4096x64xf32, #tpu.memory_space<hbm>> -> memref<1x128x64xf32, #tpu.memory_space<hbm>>
      %dma_start3A_222 = tpu.memref_squeeze %dma_start3A_221 : memref<1x128x64xf32, #tpu.memory_space<hbm>> -> memref<128x64xf32, #tpu.memory_space<hbm>>
      tpu.enqueue_dma source(%arg10 : memref<128x64xf32, #tpu.memory_space<vmem>>) target(%dma_start3A_222 : memref<128x64xf32, #tpu.memory_space<hbm>>) target_semaphore(%arg18 : memref<!tpu.dma_semaphore, #tpu.memory_space<semaphore_mem>>)
      %mul3A_223 = arith.constant 4 : i32
      %mul3A_224 = arith.muli %scan3A_55, %mul3A_223 : i32
      %add3A_225 = arith.constant 3 : i32
      %add3A_226 = arith.addi %mul3A_224, %add3A_225 : i32
      %add3A_227 = arith.constant 4 : i32
      %add3A_228 = arith.addi %add3A_226, %add3A_227 : i32
      %sub3A_229 = arith.constant 1 : i32
      %sub3A_230 = arith.subi %add3A_228, %sub3A_229 : i32
      %ge3A_231 = arith.constant 4 : i32
      %ge3A_232 = arith.cmpi sge, %sub3A_230, %ge3A_231 : i32
      %lt3A_233 = arith.constant 200 : i32
      %lt3A_234 = arith.cmpi slt, %sub3A_230, %lt3A_233 : i32
      %and3A_235 = arith.andi %ge3A_232, %lt3A_234 : i1
      %convert_element_type3A_236 = arith.extui %and3A_235 : i1 to i32
      %cond3A_237 = arith.constant 0 : i32
      %cond3A_238 = arith.cmpi ne, %convert_element_type3A_236, %cond3A_237 : i32
      scf.if %cond3A_238 {
        %dma_wait3A_281 = arith.constant 0 : i32
        %dma_wait3A_282 = arith.constant 0 : i32
        %dma_wait3A_283 = tpu.memref_slice %arg5[%dma_wait3A_281, %mul3A_2, %dma_wait3A_282] : memref<200x4096x64xf32, #tpu.memory_space<hbm>> -> memref<1x128x64xf32, #tpu.memory_space<hbm>>
        %dma_wait3A_284 = tpu.memref_squeeze %dma_wait3A_283 : memref<1x128x64xf32, #tpu.memory_space<hbm>> -> memref<128x64xf32, #tpu.memory_space<hbm>>
        %dma_wait3A_285 = arith.constant 0 : i32
        %dma_wait3A_286 = tpu.memref_slice %arg5[%dma_wait3A_281, %mul3A_2, %dma_wait3A_285] : memref<200x4096x64xf32, #tpu.memory_space<hbm>> -> memref<1x128x64xf32, #tpu.memory_space<hbm>>
        %dma_wait3A_287 = tpu.memref_squeeze %dma_wait3A_286 : memref<1x128x64xf32, #tpu.memory_space<hbm>> -> memref<128x64xf32, #tpu.memory_space<hbm>>
        tpu.wait_dma2 semaphore(%arg18 : memref<!tpu.dma_semaphore, #tpu.memory_space<semaphore_mem>>) src(%arg10 : memref<128x64xf32, #tpu.memory_space<vmem>>) dst(%dma_wait3A_287 : memref<128x64xf32, #tpu.memory_space<hbm>>)
        %dma_start3A_288 = arith.constant 0 : i32
        %dma_start3A_289 = tpu.memref_slice %arg6[%sub3A_230, %dma_start3A_288] : memref<200x128xi32, #tpu.memory_space<vmem>> -> memref<1x128xi32, #tpu.memory_space<vmem>>
        %dma_start3A_290 = tpu.memref_squeeze %dma_start3A_289 : memref<1x128xi32, #tpu.memory_space<vmem>> -> memref<128xi32, #tpu.memory_space<vmem>>
        %dma_start3A_291 = arith.constant 0 : i32
        %dma_start3A_292 = arith.constant 0 : i32
        %dma_start3A_293 = tpu.memref_slice %arg3[%dma_start3A_291, %dma_start3A_292] : memref<1000000x64xf32, #tpu.memory_space<hbm>> -> memref<1000000x64xf32, #tpu.memory_space<hbm>>
        tpu.enqueue_indirect_dma source(%dma_start3A_293 : memref<1000000x64xf32, #tpu.memory_space<hbm>>) target(%arg10 : memref<128x64xf32, #tpu.memory_space<vmem>>) offsets(%dma_start3A_290 : memref<128xi32, #tpu.memory_space<vmem>>) semaphore(%arg14 : memref<!tpu.dma_semaphore, #tpu.memory_space<semaphore_mem>>)
      } else {
      }
      %lt3A_239 = arith.constant 4 : i32
      %lt3A_240 = arith.cmpi slt, %sub3A_230, %lt3A_239 : i32
      %lt3A_241 = arith.constant 200 : i32
      %lt3A_242 = arith.cmpi slt, %sub3A_230, %lt3A_241 : i32
      %and3A_243 = arith.andi %lt3A_240, %lt3A_242 : i1
      %convert_element_type3A_244 = arith.extui %and3A_243 : i1 to i32
      %cond3A_245 = arith.constant 0 : i32
      %cond3A_246 = arith.cmpi ne, %convert_element_type3A_244, %cond3A_245 : i32
      scf.if %cond3A_246 {
        %dma_start3A_281 = arith.constant 0 : i32
        %dma_start3A_282 = tpu.memref_slice %arg6[%sub3A_230, %dma_start3A_281] : memref<200x128xi32, #tpu.memory_space<vmem>> -> memref<1x128xi32, #tpu.memory_space<vmem>>
        %dma_start3A_283 = tpu.memref_squeeze %dma_start3A_282 : memref<1x128xi32, #tpu.memory_space<vmem>> -> memref<128xi32, #tpu.memory_space<vmem>>
        %dma_start3A_284 = arith.constant 0 : i32
        %dma_start3A_285 = arith.constant 0 : i32
        %dma_start3A_286 = tpu.memref_slice %arg3[%dma_start3A_284, %dma_start3A_285] : memref<1000000x64xf32, #tpu.memory_space<hbm>> -> memref<1000000x64xf32, #tpu.memory_space<hbm>>
        tpu.enqueue_indirect_dma source(%dma_start3A_286 : memref<1000000x64xf32, #tpu.memory_space<hbm>>) target(%arg10 : memref<128x64xf32, #tpu.memory_space<vmem>>) offsets(%dma_start3A_283 : memref<128xi32, #tpu.memory_space<vmem>>) semaphore(%arg14 : memref<!tpu.dma_semaphore, #tpu.memory_space<semaphore_mem>>)
      } else {
      }
      %dma_wait3A_247 = arith.constant 0 : i32
      %dma_wait3A_248 = arith.constant 0 : i32
      %dma_wait3A_249 = tpu.memref_slice %arg3[%dma_wait3A_247, %dma_wait3A_248] : memref<1000000x64xf32, #tpu.memory_space<hbm>> -> memref<128x64xf32, #tpu.memory_space<hbm>>
      %dma_wait3A_250 = arith.constant 0 : i32
      %dma_wait3A_251 = arith.constant 0 : i32
      %dma_wait3A_252 = tpu.memref_slice %arg3[%dma_wait3A_250, %dma_wait3A_251] : memref<1000000x64xf32, #tpu.memory_space<hbm>> -> memref<128x64xf32, #tpu.memory_space<hbm>>
      tpu.wait_dma2 semaphore(%arg15 : memref<!tpu.dma_semaphore, #tpu.memory_space<semaphore_mem>>) src(%dma_wait3A_252 : memref<128x64xf32, #tpu.memory_space<hbm>>) dst(%arg11 : memref<128x64xf32, #tpu.memory_space<vmem>>)
      %get3A_253 = arith.index_cast %add3A_226 : i32 to index
      %get3A_254 = arith.constant 0 : index
      %get3A_255 = tpu.vector_load %arg7[%get3A_253, %get3A_254] {strides = array<i32>} : memref<200x64xf32, #tpu.memory_space<vmem>>, vector<1x16xf32>,
      %get3A_256 = vector.shape_cast %get3A_255 : vector<1x16xf32> to vector<16xf32>
      %get3A_257 = arith.index_cast %add3A_226 : i32 to index
      %get3A_258 = arith.constant 16 : index
      %get3A_259 = tpu.vector_load %arg7[%get3A_257, %get3A_258] {strides = array<i32>} : memref<200x64xf32, #tpu.memory_space<vmem>>, vector<1x16xf32>,
      %get3A_260 = vector.shape_cast %get3A_259 : vector<1x16xf32> to vector<16xf32>
      %get3A_261 = arith.index_cast %add3A_226 : i32 to index
      %get3A_262 = arith.constant 32 : index
      %get3A_263 = tpu.vector_load %arg7[%get3A_261, %get3A_262] {strides = array<i32>} : memref<200x64xf32, #tpu.memory_space<vmem>>, vector<1x16xf32>,
      %get3A_264 = vector.shape_cast %get3A_263 : vector<1x16xf32> to vector<16xf32>
      %get3A_265 = arith.index_cast %add3A_226 : i32 to index
      %get3A_266 = arith.constant 48 : index
      %get3A_267 = tpu.vector_load %arg7[%get3A_265, %get3A_266] {strides = array<i32>} : memref<200x64xf32, #tpu.memory_space<vmem>>, vector<1x16xf32>,
      %get3A_268 = vector.shape_cast %get3A_267 : vector<1x16xf32> to vector<16xf32>
      %scan3A_269 = arith.constant 0 : i32
      %scan3A_270 = arith.constant 0 : i32
      %scan3A_271 = arith.constant 128 : i32
      %scan3A_272 = arith.addi %scan3A_270, %scan3A_271 : i32
      %scan3A_273 = arith.constant 4 : i32
      scf.for %scan3A_281 = %scan3A_270 to %scan3A_272 step %scan3A_273  : i32 {
        %get3A_282 = arith.index_cast %scan3A_281 : i32 to index
        %get3A_283 = arith.constant 0 : index
        %get3A_284 = tpu.vector_load %arg11[%get3A_282, %get3A_283] {strides = array<i32>} : memref<128x64xf32, #tpu.memory_space<vmem>>, vector<1x16xf32>,
        %get3A_285 = vector.shape_cast %get3A_284 : vector<1x16xf32> to vector<16xf32>
        %add3A_286 = arith.addf %get3A_285, %get3A_256 : vector<16xf32>
        %swap3A = arith.index_cast %scan3A_281 : i32 to index
        %swap3A_287 = arith.constant 0 : index
        %swap3A_288 = tpu.vector_load %arg11[%swap3A, %swap3A_287] {strides = array<i32>} : memref<128x64xf32, #tpu.memory_space<vmem>>, vector<1x16xf32>,
        %swap3A_289 = vector.shape_cast %swap3A_288 : vector<1x16xf32> to vector<16xf32>
        %swap3A_290 = vector.shape_cast %add3A_286 : vector<16xf32> to vector<1x16xf32>
        tpu.vector_store %arg11[%swap3A, %swap3A_287], %swap3A_290 {strides = array<i32>} : memref<128x64xf32, #tpu.memory_space<vmem>>, vector<1x16xf32>,
        %get3A_291 = arith.index_cast %scan3A_281 : i32 to index
        %get3A_292 = arith.constant 16 : index
        %get3A_293 = tpu.vector_load %arg11[%get3A_291, %get3A_292] {strides = array<i32>} : memref<128x64xf32, #tpu.memory_space<vmem>>, vector<1x16xf32>,
        %get3A_294 = vector.shape_cast %get3A_293 : vector<1x16xf32> to vector<16xf32>
        %add3A_295 = arith.addf %get3A_294, %get3A_260 : vector<16xf32>
        %swap3A_296 = arith.index_cast %scan3A_281 : i32 to index
        %swap3A_297 = arith.constant 16 : index
        %swap3A_298 = tpu.vector_load %arg11[%swap3A_296, %swap3A_297] {strides = array<i32>} : memref<128x64xf32, #tpu.memory_space<vmem>>, vector<1x16xf32>,
        %swap3A_299 = vector.shape_cast %swap3A_298 : vector<1x16xf32> to vector<16xf32>
        %swap3A_300 = vector.shape_cast %add3A_295 : vector<16xf32> to vector<1x16xf32>
        tpu.vector_store %arg11[%swap3A_296, %swap3A_297], %swap3A_300 {strides = array<i32>} : memref<128x64xf32, #tpu.memory_space<vmem>>, vector<1x16xf32>,
        %get3A_301 = arith.index_cast %scan3A_281 : i32 to index
        %get3A_302 = arith.constant 32 : index
        %get3A_303 = tpu.vector_load %arg11[%get3A_301, %get3A_302] {strides = array<i32>} : memref<128x64xf32, #tpu.memory_space<vmem>>, vector<1x16xf32>,
        %get3A_304 = vector.shape_cast %get3A_303 : vector<1x16xf32> to vector<16xf32>
        %add3A_305 = arith.addf %get3A_304, %get3A_264 : vector<16xf32>
        %swap3A_306 = arith.index_cast %scan3A_281 : i32 to index
        %swap3A_307 = arith.constant 32 : index
        %swap3A_308 = tpu.vector_load %arg11[%swap3A_306, %swap3A_307] {strides = array<i32>} : memref<128x64xf32, #tpu.memory_space<vmem>>, vector<1x16xf32>,
        %swap3A_309 = vector.shape_cast %swap3A_308 : vector<1x16xf32> to vector<16xf32>
        %swap3A_310 = vector.shape_cast %add3A_305 : vector<16xf32> to vector<1x16xf32>
        tpu.vector_store %arg11[%swap3A_306, %swap3A_307], %swap3A_310 {strides = array<i32>} : memref<128x64xf32, #tpu.memory_space<vmem>>, vector<1x16xf32>,
        %get3A_311 = arith.index_cast %scan3A_281 : i32 to index
        %get3A_312 = arith.constant 48 : index
        %get3A_313 = tpu.vector_load %arg11[%get3A_311, %get3A_312] {strides = array<i32>} : memref<128x64xf32, #tpu.memory_space<vmem>>, vector<1x16xf32>,
        %get3A_314 = vector.shape_cast %get3A_313 : vector<1x16xf32> to vector<16xf32>
        %add3A_315 = arith.addf %get3A_314, %get3A_268 : vector<16xf32>
        %swap3A_316 = arith.index_cast %scan3A_281 : i32 to index
        %swap3A_317 = arith.constant 48 : index
        %swap3A_318 = tpu.vector_load %arg11[%swap3A_316, %swap3A_317] {strides = array<i32>} : memref<128x64xf32, #tpu.memory_space<vmem>>, vector<1x16xf32>,
        %swap3A_319 = vector.shape_cast %swap3A_318 : vector<1x16xf32> to vector<16xf32>
        %swap3A_320 = vector.shape_cast %add3A_315 : vector<16xf32> to vector<1x16xf32>
        tpu.vector_store %arg11[%swap3A_316, %swap3A_317], %swap3A_320 {strides = array<i32>} : memref<128x64xf32, #tpu.memory_space<vmem>>, vector<1x16xf32>,
        %scan3A_321 = arith.constant 1 : i32
        %scan3A_322 = arith.addi %scan3A_281, %scan3A_321 : i32
        %get3A_323 = arith.index_cast %scan3A_322 : i32 to index
        %get3A_324 = arith.constant 0 : index
        %get3A_325 = tpu.vector_load %arg11[%get3A_323, %get3A_324] {strides = array<i32>} : memref<128x64xf32, #tpu.memory_space<vmem>>, vector<1x16xf32>,
        %get3A_326 = vector.shape_cast %get3A_325 : vector<1x16xf32> to vector<16xf32>
        %add3A_327 = arith.addf %get3A_326, %get3A_256 : vector<16xf32>
        %swap3A_328 = arith.index_cast %scan3A_322 : i32 to index
        %swap3A_329 = arith.constant 0 : index
        %swap3A_330 = tpu.vector_load %arg11[%swap3A_328, %swap3A_329] {strides = array<i32>} : memref<128x64xf32, #tpu.memory_space<vmem>>, vector<1x16xf32>,
        %swap3A_331 = vector.shape_cast %swap3A_330 : vector<1x16xf32> to vector<16xf32>
        %swap3A_332 = vector.shape_cast %add3A_327 : vector<16xf32> to vector<1x16xf32>
        tpu.vector_store %arg11[%swap3A_328, %swap3A_329], %swap3A_332 {strides = array<i32>} : memref<128x64xf32, #tpu.memory_space<vmem>>, vector<1x16xf32>,
        %get3A_333 = arith.index_cast %scan3A_322 : i32 to index
        %get3A_334 = arith.constant 16 : index
        %get3A_335 = tpu.vector_load %arg11[%get3A_333, %get3A_334] {strides = array<i32>} : memref<128x64xf32, #tpu.memory_space<vmem>>, vector<1x16xf32>,
        %get3A_336 = vector.shape_cast %get3A_335 : vector<1x16xf32> to vector<16xf32>
        %add3A_337 = arith.addf %get3A_336, %get3A_260 : vector<16xf32>
        %swap3A_338 = arith.index_cast %scan3A_322 : i32 to index
        %swap3A_339 = arith.constant 16 : index
        %swap3A_340 = tpu.vector_load %arg11[%swap3A_338, %swap3A_339] {strides = array<i32>} : memref<128x64xf32, #tpu.memory_space<vmem>>, vector<1x16xf32>,
        %swap3A_341 = vector.shape_cast %swap3A_340 : vector<1x16xf32> to vector<16xf32>
        %swap3A_342 = vector.shape_cast %add3A_337 : vector<16xf32> to vector<1x16xf32>
        tpu.vector_store %arg11[%swap3A_338, %swap3A_339], %swap3A_342 {strides = array<i32>} : memref<128x64xf32, #tpu.memory_space<vmem>>, vector<1x16xf32>,
        %get3A_343 = arith.index_cast %scan3A_322 : i32 to index
        %get3A_344 = arith.constant 32 : index
        %get3A_345 = tpu.vector_load %arg11[%get3A_343, %get3A_344] {strides = array<i32>} : memref<128x64xf32, #tpu.memory_space<vmem>>, vector<1x16xf32>,
        %get3A_346 = vector.shape_cast %get3A_345 : vector<1x16xf32> to vector<16xf32>
        %add3A_347 = arith.addf %get3A_346, %get3A_264 : vector<16xf32>
        %swap3A_348 = arith.index_cast %scan3A_322 : i32 to index
        %swap3A_349 = arith.constant 32 : index
        %swap3A_350 = tpu.vector_load %arg11[%swap3A_348, %swap3A_349] {strides = array<i32>} : memref<128x64xf32, #tpu.memory_space<vmem>>, vector<1x16xf32>,
        %swap3A_351 = vector.shape_cast %swap3A_350 : vector<1x16xf32> to vector<16xf32>
        %swap3A_352 = vector.shape_cast %add3A_347 : vector<16xf32> to vector<1x16xf32>
        tpu.vector_store %arg11[%swap3A_348, %swap3A_349], %swap3A_352 {strides = array<i32>} : memref<128x64xf32, #tpu.memory_space<vmem>>, vector<1x16xf32>,
        %get3A_353 = arith.index_cast %scan3A_322 : i32 to index
        %get3A_354 = arith.constant 48 : index
        %get3A_355 = tpu.vector_load %arg11[%get3A_353, %get3A_354] {strides = array<i32>} : memref<128x64xf32, #tpu.memory_space<vmem>>, vector<1x16xf32>,
        %get3A_356 = vector.shape_cast %get3A_355 : vector<1x16xf32> to vector<16xf32>
        %add3A_357 = arith.addf %get3A_356, %get3A_268 : vector<16xf32>
        %swap3A_358 = arith.index_cast %scan3A_322 : i32 to index
        %swap3A_359 = arith.constant 48 : index
        %swap3A_360 = tpu.vector_load %arg11[%swap3A_358, %swap3A_359] {strides = array<i32>} : memref<128x64xf32, #tpu.memory_space<vmem>>, vector<1x16xf32>,
        %swap3A_361 = vector.shape_cast %swap3A_360 : vector<1x16xf32> to vector<16xf32>
        %swap3A_362 = vector.shape_cast %add3A_357 : vector<16xf32> to vector<1x16xf32>
        tpu.vector_store %arg11[%swap3A_358, %swap3A_359], %swap3A_362 {strides = array<i32>} : memref<128x64xf32, #tpu.memory_space<vmem>>, vector<1x16xf32>,
        %scan3A_363 = arith.constant 2 : i32
        %scan3A_364 = arith.addi %scan3A_281, %scan3A_363 : i32
        %get3A_365 = arith.index_cast %scan3A_364 : i32 to index
        %get3A_366 = arith.constant 0 : index
        %get3A_367 = tpu.vector_load %arg11[%get3A_365, %get3A_366] {strides = array<i32>} : memref<128x64xf32, #tpu.memory_space<vmem>>, vector<1x16xf32>,
        %get3A_368 = vector.shape_cast %get3A_367 : vector<1x16xf32> to vector<16xf32>
        %add3A_369 = arith.addf %get3A_368, %get3A_256 : vector<16xf32>
        %swap3A_370 = arith.index_cast %scan3A_364 : i32 to index
        %swap3A_371 = arith.constant 0 : index
        %swap3A_372 = tpu.vector_load %arg11[%swap3A_370, %swap3A_371] {strides = array<i32>} : memref<128x64xf32, #tpu.memory_space<vmem>>, vector<1x16xf32>,
        %swap3A_373 = vector.shape_cast %swap3A_372 : vector<1x16xf32> to vector<16xf32>
        %swap3A_374 = vector.shape_cast %add3A_369 : vector<16xf32> to vector<1x16xf32>
        tpu.vector_store %arg11[%swap3A_370, %swap3A_371], %swap3A_374 {strides = array<i32>} : memref<128x64xf32, #tpu.memory_space<vmem>>, vector<1x16xf32>,
        %get3A_375 = arith.index_cast %scan3A_364 : i32 to index
        %get3A_376 = arith.constant 16 : index
        %get3A_377 = tpu.vector_load %arg11[%get3A_375, %get3A_376] {strides = array<i32>} : memref<128x64xf32, #tpu.memory_space<vmem>>, vector<1x16xf32>,
        %get3A_378 = vector.shape_cast %get3A_377 : vector<1x16xf32> to vector<16xf32>
        %add3A_379 = arith.addf %get3A_378, %get3A_260 : vector<16xf32>
        %swap3A_380 = arith.index_cast %scan3A_364 : i32 to index
        %swap3A_381 = arith.constant 16 : index
        %swap3A_382 = tpu.vector_load %arg11[%swap3A_380, %swap3A_381] {strides = array<i32>} : memref<128x64xf32, #tpu.memory_space<vmem>>, vector<1x16xf32>,
        %swap3A_383 = vector.shape_cast %swap3A_382 : vector<1x16xf32> to vector<16xf32>
        %swap3A_384 = vector.shape_cast %add3A_379 : vector<16xf32> to vector<1x16xf32>
        tpu.vector_store %arg11[%swap3A_380, %swap3A_381], %swap3A_384 {strides = array<i32>} : memref<128x64xf32, #tpu.memory_space<vmem>>, vector<1x16xf32>,
        %get3A_385 = arith.index_cast %scan3A_364 : i32 to index
        %get3A_386 = arith.constant 32 : index
        %get3A_387 = tpu.vector_load %arg11[%get3A_385, %get3A_386] {strides = array<i32>} : memref<128x64xf32, #tpu.memory_space<vmem>>, vector<1x16xf32>,
        %get3A_388 = vector.shape_cast %get3A_387 : vector<1x16xf32> to vector<16xf32>
        %add3A_389 = arith.addf %get3A_388, %get3A_264 : vector<16xf32>
        %swap3A_390 = arith.index_cast %scan3A_364 : i32 to index
        %swap3A_391 = arith.constant 32 : index
        %swap3A_392 = tpu.vector_load %arg11[%swap3A_390, %swap3A_391] {strides = array<i32>} : memref<128x64xf32, #tpu.memory_space<vmem>>, vector<1x16xf32>,
        %swap3A_393 = vector.shape_cast %swap3A_392 : vector<1x16xf32> to vector<16xf32>
        %swap3A_394 = vector.shape_cast %add3A_389 : vector<16xf32> to vector<1x16xf32>
        tpu.vector_store %arg11[%swap3A_390, %swap3A_391], %swap3A_394 {strides = array<i32>} : memref<128x64xf32, #tpu.memory_space<vmem>>, vector<1x16xf32>,
        %get3A_395 = arith.index_cast %scan3A_364 : i32 to index
        %get3A_396 = arith.constant 48 : index
        %get3A_397 = tpu.vector_load %arg11[%get3A_395, %get3A_396] {strides = array<i32>} : memref<128x64xf32, #tpu.memory_space<vmem>>, vector<1x16xf32>,
        %get3A_398 = vector.shape_cast %get3A_397 : vector<1x16xf32> to vector<16xf32>
        %add3A_399 = arith.addf %get3A_398, %get3A_268 : vector<16xf32>
        %swap3A_400 = arith.index_cast %scan3A_364 : i32 to index
        %swap3A_401 = arith.constant 48 : index
        %swap3A_402 = tpu.vector_load %arg11[%swap3A_400, %swap3A_401] {strides = array<i32>} : memref<128x64xf32, #tpu.memory_space<vmem>>, vector<1x16xf32>,
        %swap3A_403 = vector.shape_cast %swap3A_402 : vector<1x16xf32> to vector<16xf32>
        %swap3A_404 = vector.shape_cast %add3A_399 : vector<16xf32> to vector<1x16xf32>
        tpu.vector_store %arg11[%swap3A_400, %swap3A_401], %swap3A_404 {strides = array<i32>} : memref<128x64xf32, #tpu.memory_space<vmem>>, vector<1x16xf32>,
        %scan3A_405 = arith.constant 3 : i32
        %scan3A_406 = arith.addi %scan3A_281, %scan3A_405 : i32
        %get3A_407 = arith.index_cast %scan3A_406 : i32 to index
        %get3A_408 = arith.constant 0 : index
        %get3A_409 = tpu.vector_load %arg11[%get3A_407, %get3A_408] {strides = array<i32>} : memref<128x64xf32, #tpu.memory_space<vmem>>, vector<1x16xf32>,
        %get3A_410 = vector.shape_cast %get3A_409 : vector<1x16xf32> to vector<16xf32>
        %add3A_411 = arith.addf %get3A_410, %get3A_256 : vector<16xf32>
        %swap3A_412 = arith.index_cast %scan3A_406 : i32 to index
        %swap3A_413 = arith.constant 0 : index
        %swap3A_414 = tpu.vector_load %arg11[%swap3A_412, %swap3A_413] {strides = array<i32>} : memref<128x64xf32, #tpu.memory_space<vmem>>, vector<1x16xf32>,
        %swap3A_415 = vector.shape_cast %swap3A_414 : vector<1x16xf32> to vector<16xf32>
        %swap3A_416 = vector.shape_cast %add3A_411 : vector<16xf32> to vector<1x16xf32>
        tpu.vector_store %arg11[%swap3A_412, %swap3A_413], %swap3A_416 {strides = array<i32>} : memref<128x64xf32, #tpu.memory_space<vmem>>, vector<1x16xf32>,
        %get3A_417 = arith.index_cast %scan3A_406 : i32 to index
        %get3A_418 = arith.constant 16 : index
        %get3A_419 = tpu.vector_load %arg11[%get3A_417, %get3A_418] {strides = array<i32>} : memref<128x64xf32, #tpu.memory_space<vmem>>, vector<1x16xf32>,
        %get3A_420 = vector.shape_cast %get3A_419 : vector<1x16xf32> to vector<16xf32>
        %add3A_421 = arith.addf %get3A_420, %get3A_260 : vector<16xf32>
        %swap3A_422 = arith.index_cast %scan3A_406 : i32 to index
        %swap3A_423 = arith.constant 16 : index
        %swap3A_424 = tpu.vector_load %arg11[%swap3A_422, %swap3A_423] {strides = array<i32>} : memref<128x64xf32, #tpu.memory_space<vmem>>, vector<1x16xf32>,
        %swap3A_425 = vector.shape_cast %swap3A_424 : vector<1x16xf32> to vector<16xf32>
        %swap3A_426 = vector.shape_cast %add3A_421 : vector<16xf32> to vector<1x16xf32>
        tpu.vector_store %arg11[%swap3A_422, %swap3A_423], %swap3A_426 {strides = array<i32>} : memref<128x64xf32, #tpu.memory_space<vmem>>, vector<1x16xf32>,
        %get3A_427 = arith.index_cast %scan3A_406 : i32 to index
        %get3A_428 = arith.constant 32 : index
        %get3A_429 = tpu.vector_load %arg11[%get3A_427, %get3A_428] {strides = array<i32>} : memref<128x64xf32, #tpu.memory_space<vmem>>, vector<1x16xf32>,
        %get3A_430 = vector.shape_cast %get3A_429 : vector<1x16xf32> to vector<16xf32>
        %add3A_431 = arith.addf %get3A_430, %get3A_264 : vector<16xf32>
        %swap3A_432 = arith.index_cast %scan3A_406 : i32 to index
        %swap3A_433 = arith.constant 32 : index
        %swap3A_434 = tpu.vector_load %arg11[%swap3A_432, %swap3A_433] {strides = array<i32>} : memref<128x64xf32, #tpu.memory_space<vmem>>, vector<1x16xf32>,
        %swap3A_435 = vector.shape_cast %swap3A_434 : vector<1x16xf32> to vector<16xf32>
        %swap3A_436 = vector.shape_cast %add3A_431 : vector<16xf32> to vector<1x16xf32>
        tpu.vector_store %arg11[%swap3A_432, %swap3A_433], %swap3A_436 {strides = array<i32>} : memref<128x64xf32, #tpu.memory_space<vmem>>, vector<1x16xf32>,
        %get3A_437 = arith.index_cast %scan3A_406 : i32 to index
        %get3A_438 = arith.constant 48 : index
        %get3A_439 = tpu.vector_load %arg11[%get3A_437, %get3A_438] {strides = array<i32>} : memref<128x64xf32, #tpu.memory_space<vmem>>, vector<1x16xf32>,
        %get3A_440 = vector.shape_cast %get3A_439 : vector<1x16xf32> to vector<16xf32>
        %add3A_441 = arith.addf %get3A_440, %get3A_268 : vector<16xf32>
        %swap3A_442 = arith.index_cast %scan3A_406 : i32 to index
        %swap3A_443 = arith.constant 48 : index
        %swap3A_444 = tpu.vector_load %arg11[%swap3A_442, %swap3A_443] {strides = array<i32>} : memref<128x64xf32, #tpu.memory_space<vmem>>, vector<1x16xf32>,
        %swap3A_445 = vector.shape_cast %swap3A_444 : vector<1x16xf32> to vector<16xf32>
        %swap3A_446 = vector.shape_cast %add3A_441 : vector<16xf32> to vector<1x16xf32>
        tpu.vector_store %arg11[%swap3A_442, %swap3A_443], %swap3A_446 {strides = array<i32>} : memref<128x64xf32, #tpu.memory_space<vmem>>, vector<1x16xf32>,
      }
      %scan3A_274 = arith.constant 128 : i32
      %dma_start3A_275 = arith.constant 0 : i32
      %dma_start3A_276 = tpu.memref_slice %arg5[%add3A_226, %mul3A_2, %dma_start3A_275] : memref<200x4096x64xf32, #tpu.memory_space<hbm>> -> memref<1x128x64xf32, #tpu.memory_space<hbm>>
      %dma_start3A_277 = tpu.memref_squeeze %dma_start3A_276 : memref<1x128x64xf32, #tpu.memory_space<hbm>> -> memref<128x64xf32, #tpu.memory_space<hbm>>
      %dma_start3A_278 = arith.constant 0 : i32
      %dma_start3A_279 = tpu.memref_slice %arg5[%add3A_226, %mul3A_2, %dma_start3A_278] : memref<200x4096x64xf32, #tpu.memory_space<hbm>> -> memref<1x128x64xf32, #tpu.memory_space<hbm>>
      %dma_start3A_280 = tpu.memref_squeeze %dma_start3A_279 : memref<1x128x64xf32, #tpu.memory_space<hbm>> -> memref<128x64xf32, #tpu.memory_space<hbm>>
      tpu.enqueue_dma source(%arg11 : memref<128x64xf32, #tpu.memory_space<vmem>>) target(%dma_start3A_280 : memref<128x64xf32, #tpu.memory_space<hbm>>) target_semaphore(%arg19 : memref<!tpu.dma_semaphore, #tpu.memory_space<semaphore_mem>>)
    }
    %scan3A_27 = arith.constant 50 : i32
    %dma_wait3A = arith.constant 0 : i32
    %dma_wait3A_28 = arith.constant 0 : i32
    %dma_wait3A_29 = tpu.memref_slice %arg5[%dma_wait3A, %mul3A_2, %dma_wait3A_28] : memref<200x4096x64xf32, #tpu.memory_space<hbm>> -> memref<1x128x64xf32, #tpu.memory_space<hbm>>
    %dma_wait3A_30 = tpu.memref_squeeze %dma_wait3A_29 : memref<1x128x64xf32, #tpu.memory_space<hbm>> -> memref<128x64xf32, #tpu.memory_space<hbm>>
    %dma_wait3A_31 = arith.constant 0 : i32
    %dma_wait3A_32 = tpu.memref_slice %arg5[%dma_wait3A, %mul3A_2, %dma_wait3A_31] : memref<200x4096x64xf32, #tpu.memory_space<hbm>> -> memref<1x128x64xf32, #tpu.memory_space<hbm>>
    %dma_wait3A_33 = tpu.memref_squeeze %dma_wait3A_32 : memref<1x128x64xf32, #tpu.memory_space<hbm>> -> memref<128x64xf32, #tpu.memory_space<hbm>>
    tpu.wait_dma2 semaphore(%arg16 : memref<!tpu.dma_semaphore, #tpu.memory_space<semaphore_mem>>) src(%arg8 : memref<128x64xf32, #tpu.memory_space<vmem>>) dst(%dma_wait3A_33 : memref<128x64xf32, #tpu.memory_space<hbm>>)
    %dma_wait3A_34 = arith.constant 0 : i32
    %dma_wait3A_35 = arith.constant 0 : i32
    %dma_wait3A_36 = tpu.memref_slice %arg5[%dma_wait3A_34, %mul3A_2, %dma_wait3A_35] : memref<200x4096x64xf32, #tpu.memory_space<hbm>> -> memref<1x128x64xf32, #tpu.memory_space<hbm>>
    %dma_wait3A_37 = tpu.memref_squeeze %dma_wait3A_36 : memref<1x128x64xf32, #tpu.memory_space<hbm>> -> memref<128x64xf32, #tpu.memory_space<hbm>>
    %dma_wait3A_38 = arith.constant 0 : i32
    %dma_wait3A_39 = tpu.memref_slice %arg5[%dma_wait3A_34, %mul3A_2, %dma_wait3A_38] : memref<200x4096x64xf32, #tpu.memory_space<hbm>> -> memref<1x128x64xf32, #tpu.memory_space<hbm>>
    %dma_wait3A_40 = tpu.memref_squeeze %dma_wait3A_39 : memref<1x128x64xf32, #tpu.memory_space<hbm>> -> memref<128x64xf32, #tpu.memory_space<hbm>>
    tpu.wait_dma2 semaphore(%arg17 : memref<!tpu.dma_semaphore, #tpu.memory_space<semaphore_mem>>) src(%arg9 : memref<128x64xf32, #tpu.memory_space<vmem>>) dst(%dma_wait3A_40 : memref<128x64xf32, #tpu.memory_space<hbm>>)
    %dma_wait3A_41 = arith.constant 0 : i32
    %dma_wait3A_42 = arith.constant 0 : i32
    %dma_wait3A_43 = tpu.memref_slice %arg5[%dma_wait3A_41, %mul3A_2, %dma_wait3A_42] : memref<200x4096x64xf32, #tpu.memory_space<hbm>> -> memref<1x128x64xf32, #tpu.memory_space<hbm>>
    %dma_wait3A_44 = tpu.memref_squeeze %dma_wait3A_43 : memref<1x128x64xf32, #tpu.memory_space<hbm>> -> memref<128x64xf32, #tpu.memory_space<hbm>>
    %dma_wait3A_45 = arith.constant 0 : i32
    %dma_wait3A_46 = tpu.memref_slice %arg5[%dma_wait3A_41, %mul3A_2, %dma_wait3A_45] : memref<200x4096x64xf32, #tpu.memory_space<hbm>> -> memref<1x128x64xf32, #tpu.memory_space<hbm>>
    %dma_wait3A_47 = tpu.memref_squeeze %dma_wait3A_46 : memref<1x128x64xf32, #tpu.memory_space<hbm>> -> memref<128x64xf32, #tpu.memory_space<hbm>>
    tpu.wait_dma2 semaphore(%arg18 : memref<!tpu.dma_semaphore, #tpu.memory_space<semaphore_mem>>) src(%arg10 : memref<128x64xf32, #tpu.memory_space<vmem>>) dst(%dma_wait3A_47 : memref<128x64xf32, #tpu.memory_space<hbm>>)
    %dma_wait3A_48 = arith.constant 0 : i32
    %dma_wait3A_49 = arith.constant 0 : i32
    %dma_wait3A_50 = tpu.memref_slice %arg5[%dma_wait3A_48, %mul3A_2, %dma_wait3A_49] : memref<200x4096x64xf32, #tpu.memory_space<hbm>> -> memref<1x128x64xf32, #tpu.memory_space<hbm>>
    %dma_wait3A_51 = tpu.memref_squeeze %dma_wait3A_50 : memref<1x128x64xf32, #tpu.memory_space<hbm>> -> memref<128x64xf32, #tpu.memory_space<hbm>>
    %dma_wait3A_52 = arith.constant 0 : i32
    %dma_wait3A_53 = tpu.memref_slice %arg5[%dma_wait3A_48, %mul3A_2, %dma_wait3A_52] : memref<200x4096x64xf32, #tpu.memory_space<hbm>> -> memref<1x128x64xf32, #tpu.memory_space<hbm>>
    %dma_wait3A_54 = tpu.memref_squeeze %dma_wait3A_53 : memref<1x128x64xf32, #tpu.memory_space<hbm>> -> memref<128x64xf32, #tpu.memory_space<hbm>>
    tpu.wait_dma2 semaphore(%arg19 : memref<!tpu.dma_semaphore, #tpu.memory_space<semaphore_mem>>) src(%arg11 : memref<128x64xf32, #tpu.memory_space<vmem>>) dst(%dma_wait3A_54 : memref<128x64xf32, #tpu.memory_space<hbm>>)
    return
  }
}

</mosaic_0001>

<sc_bundles>
// kernel: _sc_call.3.cloned.1.call-start
scs
__scs_entry_jumppad:
0x0: {  	(pc) =	sbr.rel $0x88, $3  }
0x1: {  	(tag) =	ssettag $0x0;
	lr =	simm.s32 $0x1  }
0x2: {  	[smem:$0x3F9E] =	sst lr;
	_ =	strace $0xD0000000  }
0x3: {  	_ = 	snop  }
0x4: {  	_ = 	snop  }
0x5: {  	_ = 	snop  }
0x6: {  	_ = 	snop  }
0x7: {  	_ = 	snop  }
__scs_overlays_trampoline_lowered:
0x8: {  	[smem:$0x3FAD] =	sst s0  }
0x9: {  	[smem:$0x3FAE] =	sst s1  }
0xa: {  	[smem:$0x3FAF] =	sst s2  }
0xb: {  	[smem:$0x3FB0] =	sst s3  }
0xc: {  	[smem:$0x3FB1] =	sst s4  }
0xd: {  	[smem:$0x3FB2] =	sst s5  }
0xe: {  	[smem:$0x3FB3] =	sst s6  }
0xf: {  	[smem:$0x3FB4] =	sst s7  }
0x10: {  	[smem:$0x3FB5] =	sst s8  }
0x11: {  	[smem:$0x3FB6] =	sst s9;
	s0 =	simm.s32 @!p0 $0x0  }
0x12: {  	s1 =	sld [smem:$0x3F9C];
	s0 =	simm.s32 @p0 $0x1  }
0x13: {  	[smem:$0x3FB7] =	sst s0;
	s0 =	simm.s32 @!p1 $0x0  }
0x14: {  	s2 =	sld [smem:$0x3F9B];
	s0 =	simm.s32 @p1 $0x1  }
0x15: {  	[smem:$0x3FB8] =	sst s0;
	s0 =	simm.s32 @!p2 $0x0  }
0x16: {  	s3 =	sld [smem:$0x3FDB];
	s0 =	simm.s32 @p2 $0x1  }
0x17: {  	s4 =	simm.s32 $0x1BF5;
	[smem:$0x3FBA] =	sst s0  }
0x18: {  	s0 =	sld [smem:$0x3F9D];
	_ =	swait.ge [sflag:s4], $0x0  }
0x19: {  	s7 =	sld [smem:$0x3F9E]  }
0x1a: {  	s8 =	sadd.s32 $0xFFFFE003, lr  }
0x1b: {  	s9 =	sadd.s32 $0xFFFFFEF7, lr;
	s5 =	simm.s32 $0xFFFFFFFF;
	p2 =	slt.u32 s8, $0xFFFFF086  }
0x1c: {  	p1 =	slt.u32 s9, $0xF7A;
	s5 =	simm.s32 @!p2 $0x0  }
0x1d: {  	s5 =	simm.s32 @p1 $0x1;
	p0 =	seq.s32 s7, s2  }
0x1e: {  	s7 =	smul.u32 @!p0 $0xF7A, s2;
	p2 =	seq.s32 @!p0 s5, $0x0  }
0x1f: {  	s9 =	smul.u32 $0xF7A, s1;
	s8 =	simm.s32 @!p0 $0x1BF5;
	p2 =	por !p2, p0  }
0x20: {  	[sflag:s8] =	ssyncset.s32 @!p0 $0xFFFFF086;
	s6 =	sadd.s32 @!p0 s3, s7;
	s7 =	simm.s32 @!p0 $0x108  }
0x21: {  	s3 =	sadd.s32 s3, s9;
	s6 =	sadd.s32 @!p0 $0x88, s6;
	s7 =	simm.s32 @p2 $0x1082  }
0x22: {  	[simem:s7], [sflag:s8] =	dma.local @!p0 [hbm:s6], $0xF7A  }
0x23: {  	s9 =	sor.u32 $0xD0000000, s2;
	s6 =	simm.s32 $0x108;
	_ =	swait.ge @!p0 [sflag:s8], $0x0  }
0x24: {  	s3 =	sadd.s32 $0x88, s3;
	s6 =	simm.s32 @!p1 $0x1082;
	[sflag:s4] =	ssyncset.s32 $0xFFFFF086  }
0x25: {  	[simem:s6], [sflag:s4] =	dma.local [hbm:s3], $0xF7A  }
0x26: {  	[smem:$0x3F9E] =	sst s1;
	(tag) =	ssettag s2;
	_ =	strace s9  }
0x27: {  	s1 =	sld [smem:$0x3FAE]  }
0x28: {  	s2 =	sld [smem:$0x3FAF]  }
0x29: {  	s4 =	sld [smem:$0x3FB1]  }
0x2a: {  	p0 =	seq.s32 s5, $0x0;
	s5 =	sld [smem:$0x3FB2]  }
0x2b: {  	s6 =	sld [smem:$0x3FB3]  }
0x2c: {  	s7 =	sld [smem:$0x3FB4]  }
0x2d: {  	s3 =	simm.s32 $0x108;
	s8 =	sld [smem:$0x3FB5]  }
0x2e: {  	s3 =	simm.s32 @!p0 $0x1082;
	s9 =	sld [smem:$0x3FB6]  }
0x2f: {  	lr =	sadd.s32 s0, s3;
	s0 =	sld [smem:$0x3FAD]  }
0x30: {  	s3 =	sld [smem:$0x3FB0]  }
0x31: {  	[smem:$0x3FB9] =	sst s10  }
0x32: {  	s10 =	sld [smem:$0x3FB7];
	_ =	sdelay $0x3  }
0x33: {  	p0 =	seq.s32 s10, $0x1;
	s10 =	sld [smem:$0x3FB9];
	_ =	sdelay $0x3  }
0x34: {  	[smem:$0x3FB9] =	sst s10  }
0x35: {  	s10 =	sld [smem:$0x3FB8];
	_ =	sdelay $0x3  }
0x36: {  	p1 =	seq.s32 s10, $0x1;
	s10 =	sld [smem:$0x3FB9];
	_ =	sdelay $0x3  }
0x37: {  	[smem:$0x3FB9] =	sst s10  }
0x38: {  	s10 =	sld [smem:$0x3FBA]  }
0x39: {  	_ = 	snop;
	(pc) =	sbr.ind lr, $3  }
0x3a: {  	_ = 	snop  }
0x3b: {  	_ = 	snop  }
0x3c: {  	p2 =	seq.s32 s10, $0x1;
	s10 =	sld [smem:$0x3FB9]  }
0x3d: {  	_ =	shalt  }
0x3e: {  	_ =	shalt  }
0x3f: {  	_ =	shalt  }
0x40: {  	_ =	shalt  }
0x41: {  	_ =	shalt  }
0x42: {  	_ =	shalt  }
0x43: {  	_ =	shalt  }
0x44: {  	_ =	shalt  }
0x45: {  	_ =	shalt  }
0x46: {  	_ =	shalt  }
0x47: {  	_ =	shalt  }
0x48: {  	_ =	shalt  }
0x49: {  	_ =	shalt  }
0x4a: {  	_ =	shalt  }
0x4b: {  	_ =	shalt  }
0x4c: {  	_ =	shalt  }
0x4d: {  	_ =	shalt  }
0x4e: {  	_ =	shalt  }
0x4f: {  	_ =	shalt  }
0x50: {  	_ =	shalt  }
0x51: {  	_ =	shalt  }
0x52: {  	_ =	shalt  }
0x53: {  	_ =	shalt  }
0x54: {  	_ =	shalt  }
0x55: {  	_ =	shalt  }
0x56: {  	_ =	shalt  }
0x57: {  	_ =	shalt  }
0x58: {  	_ =	shalt  }
0x59: {  	_ =	shalt  }
0x5a: {  	_ =	shalt  }
0x5b: {  	_ =	shalt  }
0x5c: {  	_ =	shalt  }
0x5d: {  	_ =	shalt  }
0x5e: {  	_ =	shalt  }
0x5f: {  	_ =	shalt  }
0x60: {  	_ =	shalt  }
0x61: {  	_ =	shalt  }
0x62: {  	_ =	shalt  }
0x63: {  	_ =	shalt  }
0x64: {  	_ =	shalt  }
0x65: {  	_ =	shalt  }
0x66: {  	_ =	shalt  }
0x67: {  	_ =	shalt  }
0x68: {  	_ =	shalt  }
0x69: {  	_ =	shalt  }
0x6a: {  	_ =	shalt  }
0x6b: {  	_ =	shalt  }
0x6c: {  	_ =	shalt  }
0x6d: {  	_ =	shalt  }
0x6e: {  	_ =	shalt  }
0x6f: {  	_ =	shalt  }
0x70: {  	_ =	shalt  }
0x71: {  	_ =	shalt  }
0x72: {  	_ =	shalt  }
0x73: {  	_ =	shalt  }
0x74: {  	_ =	shalt  }
0x75: {  	_ =	shalt  }
0x76: {  	_ =	shalt  }
0x77: {  	_ =	shalt  }
0x78: {  	_ =	shalt  }
0x79: {  	_ =	shalt  }
0x7a: {  	_ =	shalt  }
0x7b: {  	_ =	shalt  }
0x7c: {  	_ =	shalt  }
0x7d: {  	_ =	shalt  }
0x7e: {  	_ =	shalt  }
0x7f: {  	_ =	shalt  }
0x80: {  	_ =	shalt  }
0x81: {  	_ =	shalt  }
0x82: {  	_ =	shalt  }
0x83: {  	_ =	shalt  }
0x84: {  	_ =	shalt  }
0x85: {  	_ =	shalt  }
0x86: {  	_ =	shalt  }
0x87: {  	_ =	shalt  }
.Lfunc_end0:
.L_simem_size_0:
called_computation.1_lowered:
.L_overlay_start_0:
0x88: {  	s2 =	sld [smem:$0x3FD9]  }
0x89: {  	s3 =	sld [smem:$0x3FFE];
	_ =	sdelay $0x1  }
0x8a: {  	s1 =	srdreg.scid  }
0x8b: {  	s0 =	sand.u32 $0x1, s1  }
0x8c: {  	s17 =	sshll.u32 s0, $0xA;
	s2 =	sadd.s32 s3, s2  }
0x8d: {  	s2 =	sadd.s32 s2, s17  }
0x8e: {  	[smem:$0x3FC5] =	sst s2  }
0x8f: {  	_ = 	snop  }
0x90: {  	s2 =	sld [smem:$0x3FD0];
	(tm) =	ssettm $0x1  }
0x91: {  	s18 =	sld [smem:$0x3FFB];
	_ =	sdelay $0x3  }
0x92: {  	_ =	strace s18  }
0x93: {  	s3 =	sld [smem:$0x3FFC];
	_ =	sdelay $0x3  }
0x94: {  	_ =	strace s3  }
0x95: {  	s3 =	sld [smem:$0x3FFD];
	_ =	sdelay $0x3  }
0x96: {  	_ =	strace s3  }
0x97: {  	_ =	strace $0x8FFFFFFF  }
0x98: {  	s19 =	sld [smem:$0x3FDB];
	_ =	sdelay $0x1  }
0x99: {  	s4 =	simm.s32 $_scs_section_size  }
0x9a: {  	s5 =	simm.s32 $_size__tile_overlayer_lowered;
	s6 =	simm.s32 $_tile_overlayer_lowered  }
0x9b: {  	s22 =	simm.s32 $0x1BFF;
	s21 =	sshll.u32 s6, $0x1;
	s3 =	sadd.s32 s4, s19  }
0x9c: {  	s7 =	simm.s32 $0x0;
	s20 =	sshll.u32 s5, $0x1;
	s5 =	sadd.s32 s21, s3  }
0x9d: {  	[timem:s7], [sflag:s22] =	dma.local [hbm:s5], s20  }
0x9e: {  	_ =	swait.ge [sflag:s22], s20  }
0x9f: {  	s4 =	ssub.s32 $0x0, s20;
	[sflag:s22] =	ssyncset.done $0x0  }
0xa0: {  	[sflag:s22] =	ssyncadd.s32 s4;
	_ =	sdelay $0x1  }
0xa1: {  	s23 =	simm.s32 $0x1B8B  }
0xa2: {  	_ =	swait.ge [sflag:s23], $0x1  }
0xa3: {  	[sflag:s23] =	ssyncset.done $0x0  }
0xa4: {  	s25 =	simm.s32 $0x1B8E;
	s24 =	sld [smem:$0x3FFE];
	[sflag:s23] =	ssyncadd.s32 $0xFFFFFFFF  }
0xa5: {  	s26 =	simm.s32 $execute0_lowered;
	[smem:$0x3FD2] =	sst s25  }
0xa6: {  	s5 =	sshll.u32 s26, $0x1;
	_ =	strace $0x80000046;
	[dreg:$0x1] =	wrdreg $0xFFFFFFFF  }
0xa7: {  	s28 =	simm.s32 $_size_execute0_lowered;
	s3 =	sadd.s32 s3, s5;
	[dreg:$0x0] =	wrdreg $0x0  }
0xa8: {  	s5 =	sshll.u32 s28, $0x1;
	[dreg:$0x2] =	wrdreg s3  }
0xa9: {  	[dreg:$0x3] =	wrdreg s5  }
0xaa: {  	[dreg:$0x4] =	wrdreg $0xC0  }
0xab: {  	_ =	task [dreg:s7], $0x5FFFF  }
0xac: {  	[dreg:$0x1] =	wrdreg $0xFFFFFFFF  }
0xad: {  	[dreg:$0x0] =	wrdreg $0x60  }
0xae: {  	[dreg:$0x2] =	wrdreg s24  }
0xaf: {  	[dreg:$0x3] =	wrdreg s2  }
0xb0: {  	[dreg:$0x4] =	wrdreg $0x9  }
0xb1: {  	_ =	task.clear_ibuf [dreg:s7], $0x5FFFF;
	_ =	strace $0x90000046  }
0xb2: {  	s29 =	simm.s32 $0x9;
	_ =	strace $0x80000048  }
0xb3: {  	_ =	swait.ge [sflag:s29], $0x1  }
0xb4: {  	[sflag:s29] =	ssyncadd.s32 $0xFFFFFFFF  }
0xb5: {  	_ =	strace $0x90000048  }
0xb6: {  	_ =	sfence  }
0xb7: {  	s30 =	sld [smem:$0x0];
	_ =	sdelay $0x2  }
0xb8: {  	s31 =	sshll.u32 s1, $0xD;
	s1 =	sshrl.u32 s1, $0x2  }
0xb9: {  	s3 =	sand.u32 $0x4000, s31;
	s1 =	sadd.s32 s1, s30  }
0xba: {  	s0 =	sor.u32 s3, s0;
	s1 =	sshll.u32 s1, $0x11  }
0xbb: {  	s0 =	sor.u32 s1, s0  }
0xbc: {  	s0 =	sadd.s32 $0x8F2B, s0  }
0xbd: {  	[sflag:s0] =	ssyncadd.remote.s32 $0x1  }
0xbe: {  	_ =	sfence.sel $0xFFFF  }
0xbf: {  	[dreg:$0x0] =	wrdreg $0xFFFFFFFF;
	(pc) =	sbr.abs _section_cstart, $3  }
0xc0: {  	[dreg:$0x1] =	wrdreg $0xFFFFFFFF  }
0xc1: {  	_ =	task.clear_ibuf [dreg:s7], $0x2FFFF;
	_ =	strace $0x9FFFFFFF  }
0xc2: {  	(tm) =	ssettm $0x7FFFFFFF  }
0xc3: {  	_ =	shalt  }
tec
execute0_lowered:
.L_overlay_start_1:
0x0: {  	(tag) =	ssettag $0x1  }
0x1: {  	s0 =	srdreg.scid;
	s1 =	rddreg [dreg:$0x0]  }
0x2: {  	s3 =	stileid.u32;
	s2 =	rddreg [dreg:$0x1]  }
0x3: {  	s9 =	simm.s32 $0x80;
	s11 =	simm.s32 $0x9;
	s13 =	simm.s32 $0x9600  }
0x4: {  	s14 =	simm.s32 $0xB600;
	s15 =	simm.s32 $0x100;
	s16 =	simm.s32 $0xD600  }
0x5: {  	s17 =	simm.s32 $0xF600;
	s18 =	simm.s32 $0x1;
	s19 =	simm.s32 $0x2  }
0x6: {  	s20 =	simm.s32 $0x3;
	s21 =	simm.s32 $0x4;
	s22 =	simm.s32 $0x5  }
0x7: {  	s23 =	simm.s32 $0x6;
	s24 =	simm.s32 $0x7;
	s25 =	simm.s32 $0x8  }
0x8: {  	s0 =	sand.u32 $0x1, s0;
	s4 =	sshll.u32 s3, $0x8;
	s3 =	simm.s32 $0x0  }
0x9: {  	s26 =	simm.s32 $0x0;
	s5 =	sshll.u32 s0, $0x7;
	[smem:$0x7FF] =	sst s3  }
0xa: {  	s0 =	ssub.s32 $0x2, s0;
	s7 =	sor.u32 s5, s4;
	_ =	strace $0x80000047  }
0xb: {  	s8 =	sshrl.u32 s0, $0x1;
	s5 =	sadd.s32 $0x19C00, s1;
	s4 =	sshrl.u32 s7, $0x3  }
0xc: {  	s0 =	ssub.s32 s0, s8;
	s7 =	sshll.u32 s7, $0x6;
	s6 =	sadd.s32 s4, s1  }
0xd: {  	s4 =	sadd.s32 $0xF43000, s1;
	s8 =	smax.u32 s0, $0x1;
	s6 =	sadd.s32 $0xC00, s6  }
.LBB2_1:
0xe: {  	s0 =	simm.s32 $0x1000  }
0xf: {  	[tilespmem:s3], [sflag:$0x9] =	stream.strided.gather [hbm4b:s6+s9], $0x6400, s0, s9, $0x38;
	[tilespmem:$0x11600] =	vst v63  }
0x10: {  	_ =	swait.ge [sflag:s11], $0x6400  }
0x11: {  	[sflag:s11] =	ssyncset.done $0x0  }
0x12: {  	s31 =	simm.s32 $0x6400;
	[sflag:s11] =	ssyncadd.s32 $0xFFFF9C00  }
0x13: {  	[tilespmem:s31], [sflag:$0x9] =	stream.linear.gather [hbm4b:s5+s3], $0x3200, $0x38;
	[tilespmem:$0x11600] =	vst v63  }
0x14: {  	_ =	swait.ge [sflag:s11], $0x3200  }
0x15: {  	[sflag:s11] =	ssyncset.done $0x0  }
0x16: {  	[sflag:s11] =	ssyncadd.s32 $0xFFFFCE00  }
0x17: {  	[tilespmem:s13], [sflag:$0x1] =	stream.indirect.gather [hbm4b:s4+s9], $0x40, s3, s9, $0xb8;
	[tilespmem:$0x11600] =	vst v63  }
0x18: {  	_ = 	snop  }
0x19: {  	[tilespmem:s14], [sflag:$0x2] =	stream.indirect.gather [hbm4b:s4+s9], $0x40, s9, s9, $0xb8;
	[tilespmem:$0x11600] =	vst v63  }
0x1a: {  	s28 =	simm.s32 $0x0  }
0x1b: {  	[tilespmem:s16], [sflag:$0x3] =	stream.indirect.gather [hbm4b:s4+s9], $0x40, s15, s9, $0xb8;
	[tilespmem:$0x11600] =	vst v63  }
.LBB2_2:
0x1c: {  	p0 =	seq.s32 s28, $0x0  }
0x1d: {  	s29 =	sshllo.u32 s28, $0x2;
	s0 =	simm.s32 @!p0 $0x8  }
0x1e: {  	s1 =	sshll.u32 @!p0 s29, $0x7;
	_ =	swait.ge @!p0 [sflag:s0], $0x2000  }
0x1f: {  	s1 =	sand.u32 @!p0 $0x3FFFFF80, s1;
	[sflag:s0] =	ssyncset.done @!p0 $0x0  }
0x20: {  	s1 =	simm.s32 @p0 $0x180;
	[sflag:s0] =	ssyncadd.s32 @!p0 $0xFFFFE000  }
0x21: {  	[tilespmem:s17], [sflag:$0x4] =	stream.indirect.gather [hbm4b:s4+s9], $0x40, s1, s9, $0xb8;
	[tilespmem:$0x11600] =	vst v63  }
0x22: {  	_ =	swait.ge [sflag:s18], $0x2000  }
0x23: {  	s30 =	sshll.u32 s28, $0x8;
	[sflag:s18] =	ssyncset.done $0x0  }
0x24: {  	s0 =	sand.u32 $0x3FFFFF00, s30;
	[sflag:s18] =	ssyncadd.s32 $0xFFFFE000  }
0x25: {  	v3 =	vld [tilespmem:s0+$0x6400]  }
0x26: {  	v2 =	vld [tilespmem:s0+$0x6410]  }
0x27: {  	v1 =	vld [tilespmem:s0+$0x6420]  }
0x28: {  	s1 =	simm.s32 $0x9680;
	v0 =	vld [tilespmem:s0+$0x6430]  }
0x29: {  	v4 =	vld [tilespmem:s1+$0xFFFFFF80]  }
0x2a: {  	v5 =	vld [tilespmem:s1+$0xFFFFFF90]  }
0x2b: {  	v6 =	vld [tilespmem:s1+$0xFFFFFFA0]  }
0x2c: {  	v7 =	vld [tilespmem:s1+$0xFFFFFFB0]  }
0x2d: {  	v8 =	vld [tilespmem:s1+$0xFFFFFFC0]  }
0x2e: {  	v9 =	vld [tilespmem:s1+$0xFFFFFFD0];
	v4 =	vadd.f32 v4, v3  }
0x2f: {  	v10 =	vld [tilespmem:s1+$0xFFFFFFE0];
	v5 =	vadd.f32 v5, v2  }
0x30: {  	[tilespmem:s1+$0xFFFFFF80] =	vst v4;
	v4 =	vadd.f32 v6, v1;
	v6 =	vld [tilespmem:s1+$0x0]  }
0x31: {  	[tilespmem:s1+$0xFFFFFF90] =	vst v5;
	v5 =	vadd.f32 v7, v0;
	v7 =	vld [tilespmem:s1+$0x10]  }
0x32: {  	[tilespmem:s1+$0xFFFFFFA0] =	vst v4;
	v4 =	vadd.f32 v8, v3;
	v8 =	vld [tilespmem:s1+$0x20]  }
0x33: {  	v11 =	vld [tilespmem:s1+$0x30];
	[tilespmem:s1+$0xFFFFFFB0] =	vst v5;
	v5 =	vadd.f32 v9, v2  }
0x34: {  	v9 =	vadd.f32 v10, v1;
	[tilespmem:s1+$0xFFFFFFC0] =	vst v4;
	v4 =	vld [tilespmem:s1+$0x40]  }
0x35: {  	[tilespmem:s1+$0xFFFFFFD0] =	vst v5;
	v5 =	vadd.f32 v6, v3;
	v6 =	vld [tilespmem:s1+$0x50]  }
0x36: {  	[tilespmem:s1+$0xFFFFFFE0] =	vst v9;
	v10 =	vadd.f32 v7, v2;
	v7 =	vld [tilespmem:s1+$0x60]  }
0x37: {  	[tilespmem:s1+$0x0] =	vst v5;
	v9 =	vadd.f32 v8, v1;
	v8 =	vld [tilespmem:s1+$0x70]  }
0x38: {  	s31 =	sshll.u32 s28, $0x2;
	s10 =	simm.s32 $0x9780;
	s0 =	simm.s32 $0x0;
	v5 =	vld [tilespmem:s1+$0xFFFFFFF0];
	[tilespmem:s1+$0x10] =	vst v10;
	v10 =	vadd.f32 v11, v0  }
.LBB2_3:
0x39: {  	v11 =	vld [tilespmem:s10+$0xFFFFFF80];
	[tilespmem:s1+$0x20] =	vst v9;
	v4 =	vadd.f32 v4, v3  }
0x3a: {  	v9 =	vld [tilespmem:s10+$0xFFFFFF90];
	[tilespmem:s1+$0x30] =	vst v10;
	v6 =	vadd.f32 v6, v2  }
0x3b: {  	v10 =	vld [tilespmem:s10+$0xFFFFFFA0];
	[tilespmem:s1+$0x40] =	vst v4;
	v4 =	vadd.f32 v7, v1  }
0x3c: {  	v7 =	vld [tilespmem:s10+$0xFFFFFFB0];
	[tilespmem:s1+$0x50] =	vst v6;
	v6 =	vadd.f32 v8, v0  }
0x3d: {  	v8 =	vld [tilespmem:s10+$0xFFFFFFC0];
	v5 =	vadd.f32 v5, v0;
	[tilespmem:s1+$0x60] =	vst v4  }
0x3e: {  	v4 =	vadd.f32 v11, v3;
	v11 =	vld [tilespmem:s10+$0xFFFFFFD0];
	[tilespmem:s1+$0x70] =	vst v6  }
0x3f: {  	v6 =	vadd.f32 v9, v2;
	v9 =	vld [tilespmem:s10+$0xFFFFFFE0];
	[tilespmem:s1+$0xFFFFFFF0] =	vst v5;
	s1 =	smov.u32 s10  }
0x40: {  	[tilespmem:s10+$0xFFFFFF80] =	vst v4;
	v4 =	vadd.f32 v10, v1;
	v5 =	vld [tilespmem:s10+$0x0]  }
0x41: {  	[tilespmem:s10+$0xFFFFFF90] =	vst v6;
	v6 =	vadd.f32 v7, v0;
	v7 =	vld [tilespmem:s10+$0x10]  }
0x42: {  	s0 =	sadd.s32 $0x4, s0;
	[tilespmem:s10+$0xFFFFFFA0] =	vst v4;
	v4 =	vadd.f32 v8, v3;
	v8 =	vld [tilespmem:s10+$0x20]  }
0x43: {  	p0 =	slt.u32 s0, $0x7C;
	[tilespmem:s10+$0xFFFFFFB0] =	vst v6;
	v6 =	vadd.f32 v11, v2;
	v10 =	vld [tilespmem:s10+$0x30]  }
.Ltmp0:
0x44: {  	[tilespmem:s10+$0xFFFFFFC0] =	vst v4;
	v9 =	vadd.f32 v9, v1;
	v4 =	vld [tilespmem:s10+$0x40];
	(pc) =	sbr.rel @p0 .LBB2_3-.Ltmp0, $4  }
0x45: {  	[tilespmem:s10+$0xFFFFFFD0] =	vst v6;
	v5 =	vadd.f32 v5, v3;
	v6 =	vld [tilespmem:s10+$0x50]  }
0x46: {  	[tilespmem:s10+$0xFFFFFFE0] =	vst v9;
	v11 =	vadd.f32 v7, v2;
	v7 =	vld [tilespmem:s10+$0x60]  }
0x47: {  	[tilespmem:s10+$0x0] =	vst v5;
	v9 =	vadd.f32 v8, v1;
	v8 =	vld [tilespmem:s10+$0x70]  }
0x48: {  	s10 =	sadd.s32 $0x100, s10;
	v5 =	vld [tilespmem:s1+$0xFFFFFFF0];
	[tilespmem:s1+$0x10] =	vst v11;
	v10 =	vadd.f32 v10, v0  }
0x49: {  	[tilespmem:s1+$0x20] =	vst v9;
	v3 =	vadd.f32 v4, v3  }
0x4a: {  	[tilespmem:s1+$0x30] =	vst v10;
	v2 =	vadd.f32 v6, v2  }
0x4b: {  	[tilespmem:s1+$0x40] =	vst v3;
	v1 =	vadd.f32 v7, v1  }
0x4c: {  	s0 =	sshll.u32 s28, $0x14;
	[tilespmem:s1+$0x50] =	vst v2;
	v2 =	vadd.f32 v8, v0  }
0x4d: {  	s0 =	sor.u32 s7, s0;
	v0 =	vadd.f32 v5, v0;
	[tilespmem:s1+$0x60] =	vst v1  }
0x4e: {  	s0 =	sshrl.u32 s0, $0x3;
	[tilespmem:s1+$0x70] =	vst v2  }
0x4f: {  	p0 =	seq.s32 s28, $0x31;
	s0 =	sadd.s32 s2, s0;
	[tilespmem:s1+$0xFFFFFFF0] =	vst v0  }
0x50: {  	[hbm4b:s0+s3] =	stream.linear.scatter [tilespmem:s13], [sflag:$0x5], $0x2000, $0x38;
	[tilespmem:$0x11600] =	vst v63  }
0x51: {  	s0 =	simm.s32 @!p0 $0x5  }
0x52: {  	s1 =	sshll.u32 @!p0 s28, $0x9;
	_ =	swait.ge @!p0 [sflag:s0], $0x2000  }
0x53: {  	s10 =	simm.s32 @!p0 $0x9600;
	s30 =	sand.u32 @!p0 $0x3FFFFE00, s1;
	[sflag:s0] =	ssyncset.done @!p0 $0x0  }
0x54: {  	s1 =	simm.s32 @!p0 $0x80;
	[sflag:s0] =	ssyncadd.s32 @!p0 $0xFFFFE000;
	s0 =	sadd.s32 @!p0 $0x200, s30  }
0x55: {  	[tilespmem:s10], [sflag:$0x1] =	stream.indirect.gather @!p0 [hbm4b:s4+s1], $0x40, s0, s1, $0xb8;
	[tilespmem:$0x11600] =	vst v63  }
0x56: {  	s1 =	sor.u32 $0x1, s31;
	_ =	swait.ge [sflag:s19], $0x2000  }
0x57: {  	s12 =	sshll.u32 s1, $0x6;
	[sflag:s19] =	ssyncset.done $0x0  }
0x58: {  	s0 =	sand.u32 $0x3FFFFFC0, s12;
	[sflag:s19] =	ssyncadd.s32 $0xFFFFE000  }
0x59: {  	v3 =	vld [tilespmem:s0+$0x6400]  }
0x5a: {  	v2 =	vld [tilespmem:s0+$0x6410]  }
0x5b: {  	v1 =	vld [tilespmem:s0+$0x6420]  }
0x5c: {  	v0 =	vld [tilespmem:s0+$0x6430];
	s0 =	simm.s32 $0xB680  }
0x5d: {  	v4 =	vld [tilespmem:s0+$0xFFFFFF80]  }
0x5e: {  	v5 =	vld [tilespmem:s0+$0xFFFFFF90]  }
0x5f: {  	v6 =	vld [tilespmem:s0+$0xFFFFFFA0]  }
0x60: {  	v7 =	vld [tilespmem:s0+$0xFFFFFFB0]  }
0x61: {  	v8 =	vld [tilespmem:s0+$0xFFFFFFC0]  }
0x62: {  	v9 =	vld [tilespmem:s0+$0xFFFFFFD0];
	v4 =	vadd.f32 v4, v3  }
0x63: {  	v10 =	vld [tilespmem:s0+$0xFFFFFFE0];
	v5 =	vadd.f32 v5, v2  }
0x64: {  	[tilespmem:s0+$0xFFFFFF80] =	vst v4;
	v4 =	vadd.f32 v6, v1;
	v6 =	vld [tilespmem:s0+$0x0]  }
0x65: {  	[tilespmem:s0+$0xFFFFFF90] =	vst v5;
	v5 =	vadd.f32 v7, v0;
	v7 =	vld [tilespmem:s0+$0x10]  }
0x66: {  	[tilespmem:s0+$0xFFFFFFA0] =	vst v4;
	v4 =	vadd.f32 v8, v3;
	v8 =	vld [tilespmem:s0+$0x20]  }
0x67: {  	v11 =	vld [tilespmem:s0+$0x30];
	[tilespmem:s0+$0xFFFFFFB0] =	vst v5;
	v5 =	vadd.f32 v9, v2  }
0x68: {  	v9 =	vadd.f32 v10, v1;
	[tilespmem:s0+$0xFFFFFFC0] =	vst v4;
	v4 =	vld [tilespmem:s0+$0x40]  }
0x69: {  	[tilespmem:s0+$0xFFFFFFD0] =	vst v5;
	v5 =	vadd.f32 v6, v3;
	v6 =	vld [tilespmem:s0+$0x50]  }
0x6a: {  	[tilespmem:s0+$0xFFFFFFE0] =	vst v9;
	v10 =	vadd.f32 v7, v2;
	v7 =	vld [tilespmem:s0+$0x60]  }
0x6b: {  	[tilespmem:s0+$0x0] =	vst v5;
	v9 =	vadd.f32 v8, v1;
	v8 =	vld [tilespmem:s0+$0x70]  }
0x6c: {  	s10 =	simm.s32 $0x0;
	s12 =	simm.s32 $0xB780;
	v5 =	vld [tilespmem:s0+$0xFFFFFFF0];
	[tilespmem:s0+$0x10] =	vst v10;
	v10 =	vadd.f32 v11, v0  }
.LBB2_5:
0x6d: {  	v11 =	vld [tilespmem:s12+$0xFFFFFF80];
	[tilespmem:s0+$0x20] =	vst v9;
	v4 =	vadd.f32 v4, v3  }
0x6e: {  	v9 =	vld [tilespmem:s12+$0xFFFFFF90];
	[tilespmem:s0+$0x30] =	vst v10;
	v6 =	vadd.f32 v6, v2  }
0x6f: {  	v10 =	vld [tilespmem:s12+$0xFFFFFFA0];
	[tilespmem:s0+$0x40] =	vst v4;
	v4 =	vadd.f32 v7, v1  }
0x70: {  	v7 =	vld [tilespmem:s12+$0xFFFFFFB0];
	[tilespmem:s0+$0x50] =	vst v6;
	v6 =	vadd.f32 v8, v0  }
0x71: {  	v8 =	vld [tilespmem:s12+$0xFFFFFFC0];
	v5 =	vadd.f32 v5, v0;
	[tilespmem:s0+$0x60] =	vst v4  }
0x72: {  	v4 =	vadd.f32 v11, v3;
	v11 =	vld [tilespmem:s12+$0xFFFFFFD0];
	[tilespmem:s0+$0x70] =	vst v6  }
0x73: {  	v6 =	vadd.f32 v9, v2;
	v9 =	vld [tilespmem:s12+$0xFFFFFFE0];
	[tilespmem:s0+$0xFFFFFFF0] =	vst v5;
	s0 =	smov.u32 s12  }
0x74: {  	[tilespmem:s12+$0xFFFFFF80] =	vst v4;
	v4 =	vadd.f32 v10, v1;
	v5 =	vld [tilespmem:s12+$0x0]  }
0x75: {  	[tilespmem:s12+$0xFFFFFF90] =	vst v6;
	v6 =	vadd.f32 v7, v0;
	v7 =	vld [tilespmem:s12+$0x10]  }
0x76: {  	s10 =	sadd.s32 $0x4, s10;
	[tilespmem:s12+$0xFFFFFFA0] =	vst v4;
	v4 =	vadd.f32 v8, v3;
	v8 =	vld [tilespmem:s12+$0x20]  }
0x77: {  	p1 =	slt.u32 s10, $0x7C;
	[tilespmem:s12+$0xFFFFFFB0] =	vst v6;
	v6 =	vadd.f32 v11, v2;
	v10 =	vld [tilespmem:s12+$0x30]  }
.Ltmp1:
0x78: {  	[tilespmem:s12+$0xFFFFFFC0] =	vst v4;
	v9 =	vadd.f32 v9, v1;
	v4 =	vld [tilespmem:s12+$0x40];
	(pc) =	sbr.rel @p1 .LBB2_5-.Ltmp1, $4  }
0x79: {  	[tilespmem:s12+$0xFFFFFFD0] =	vst v6;
	v5 =	vadd.f32 v5, v3;
	v6 =	vld [tilespmem:s12+$0x50]  }
0x7a: {  	[tilespmem:s12+$0xFFFFFFE0] =	vst v9;
	v11 =	vadd.f32 v7, v2;
	v7 =	vld [tilespmem:s12+$0x60]  }
0x7b: {  	[tilespmem:s12+$0x0] =	vst v5;
	v9 =	vadd.f32 v8, v1;
	v8 =	vld [tilespmem:s12+$0x70]  }
0x7c: {  	s12 =	sadd.s32 $0x100, s12;
	v5 =	vld [tilespmem:s0+$0xFFFFFFF0];
	[tilespmem:s0+$0x10] =	vst v11;
	v10 =	vadd.f32 v10, v0  }
0x7d: {  	[tilespmem:s0+$0x20] =	vst v9;
	v3 =	vadd.f32 v4, v3  }
0x7e: {  	[tilespmem:s0+$0x30] =	vst v10;
	v2 =	vadd.f32 v6, v2  }
0x7f: {  	[tilespmem:s0+$0x40] =	vst v3;
	v1 =	vadd.f32 v7, v1  }
0x80: {  	s1 =	sshll.u32 s1, $0x12;
	[tilespmem:s0+$0x50] =	vst v2;
	v2 =	vadd.f32 v8, v0  }
0x81: {  	s1 =	sor.u32 s7, s1;
	v0 =	vadd.f32 v5, v0;
	[tilespmem:s0+$0x60] =	vst v1  }
0x82: {  	s1 =	sshrl.u32 s1, $0x3;
	[tilespmem:s0+$0x70] =	vst v2  }
0x83: {  	s12 =	sadd.s32 s2, s1;
	[tilespmem:s0+$0xFFFFFFF0] =	vst v0;
	s0 =	simm.s32 @!p0 $0x6  }
0x84: {  	[hbm4b:s12+s3] =	stream.linear.scatter [tilespmem:s14], [sflag:$0x6], $0x2000, $0x38;
	[tilespmem:$0x11600] =	vst v63  }
0x85: {  	_ =	swait.ge @!p0 [sflag:s0], $0x2000  }
0x86: {  	s10 =	simm.s32 @!p0 $0xB600;
	[sflag:s0] =	ssyncset.done @!p0 $0x0  }
0x87: {  	s1 =	simm.s32 @!p0 $0x80;
	[sflag:s0] =	ssyncadd.s32 @!p0 $0xFFFFE000;
	s0 =	sadd.s32 @!p0 $0x280, s30  }
0x88: {  	[tilespmem:s10], [sflag:$0x2] =	stream.indirect.gather @!p0 [hbm4b:s4+s1], $0x40, s0, s1, $0xb8;
	[tilespmem:$0x11600] =	vst v63  }
0x89: {  	s1 =	sor.u32 $0x2, s31;
	_ =	swait.ge [sflag:s20], $0x2000  }
0x8a: {  	s31 =	sshll.u32 s1, $0x6;
	[sflag:s20] =	ssyncset.done $0x0  }
0x8b: {  	s0 =	sand.u32 $0x3FFFFFC0, s31;
	[sflag:s20] =	ssyncadd.s32 $0xFFFFE000  }
0x8c: {  	v3 =	vld [tilespmem:s0+$0x6400]  }
0x8d: {  	v2 =	vld [tilespmem:s0+$0x6410]  }
0x8e: {  	v1 =	vld [tilespmem:s0+$0x6420]  }
0x8f: {  	v0 =	vld [tilespmem:s0+$0x6430];
	s0 =	simm.s32 $0xD680  }
0x90: {  	v4 =	vld [tilespmem:s0+$0xFFFFFF80]  }
0x91: {  	v5 =	vld [tilespmem:s0+$0xFFFFFF90]  }
0x92: {  	v6 =	vld [tilespmem:s0+$0xFFFFFFA0]  }
0x93: {  	v7 =	vld [tilespmem:s0+$0xFFFFFFB0]  }
0x94: {  	v8 =	vld [tilespmem:s0+$0xFFFFFFC0]  }
0x95: {  	v9 =	vld [tilespmem:s0+$0xFFFFFFD0];
	v4 =	vadd.f32 v4, v3  }
0x96: {  	v10 =	vld [tilespmem:s0+$0xFFFFFFE0];
	v5 =	vadd.f32 v5, v2  }
0x97: {  	[tilespmem:s0+$0xFFFFFF80] =	vst v4;
	v4 =	vadd.f32 v6, v1;
	v6 =	vld [tilespmem:s0+$0x0]  }
0x98: {  	[tilespmem:s0+$0xFFFFFF90] =	vst v5;
	v5 =	vadd.f32 v7, v0;
	v7 =	vld [tilespmem:s0+$0x10]  }
0x99: {  	[tilespmem:s0+$0xFFFFFFA0] =	vst v4;
	v4 =	vadd.f32 v8, v3;
	v8 =	vld [tilespmem:s0+$0x20]  }
0x9a: {  	v11 =	vld [tilespmem:s0+$0x30];
	[tilespmem:s0+$0xFFFFFFB0] =	vst v5;
	v5 =	vadd.f32 v9, v2  }
0x9b: {  	v9 =	vadd.f32 v10, v1;
	[tilespmem:s0+$0xFFFFFFC0] =	vst v4;
	v4 =	vld [tilespmem:s0+$0x40]  }
0x9c: {  	[tilespmem:s0+$0xFFFFFFD0] =	vst v5;
	v5 =	vadd.f32 v6, v3;
	v6 =	vld [tilespmem:s0+$0x50]  }
0x9d: {  	[tilespmem:s0+$0xFFFFFFE0] =	vst v9;
	v10 =	vadd.f32 v7, v2;
	v7 =	vld [tilespmem:s0+$0x60]  }
0x9e: {  	[tilespmem:s0+$0x0] =	vst v5;
	v9 =	vadd.f32 v8, v1;
	v8 =	vld [tilespmem:s0+$0x70]  }
0x9f: {  	s12 =	simm.s32 $0xD780;
	s10 =	simm.s32 $0x0;
	v5 =	vld [tilespmem:s0+$0xFFFFFFF0];
	[tilespmem:s0+$0x10] =	vst v10;
	v10 =	vadd.f32 v11, v0  }
.LBB2_7:
0xa0: {  	v11 =	vld [tilespmem:s12+$0xFFFFFF80];
	[tilespmem:s0+$0x20] =	vst v9;
	v4 =	vadd.f32 v4, v3  }
0xa1: {  	v9 =	vld [tilespmem:s12+$0xFFFFFF90];
	[tilespmem:s0+$0x30] =	vst v10;
	v6 =	vadd.f32 v6, v2  }
0xa2: {  	v10 =	vld [tilespmem:s12+$0xFFFFFFA0];
	[tilespmem:s0+$0x40] =	vst v4;
	v4 =	vadd.f32 v7, v1  }
0xa3: {  	v7 =	vld [tilespmem:s12+$0xFFFFFFB0];
	[tilespmem:s0+$0x50] =	vst v6;
	v6 =	vadd.f32 v8, v0  }
0xa4: {  	v8 =	vld [tilespmem:s12+$0xFFFFFFC0];
	v5 =	vadd.f32 v5, v0;
	[tilespmem:s0+$0x60] =	vst v4  }
0xa5: {  	v4 =	vadd.f32 v11, v3;
	v11 =	vld [tilespmem:s12+$0xFFFFFFD0];
	[tilespmem:s0+$0x70] =	vst v6  }
0xa6: {  	v6 =	vadd.f32 v9, v2;
	v9 =	vld [tilespmem:s12+$0xFFFFFFE0];
	[tilespmem:s0+$0xFFFFFFF0] =	vst v5;
	s0 =	smov.u32 s12  }
0xa7: {  	[tilespmem:s12+$0xFFFFFF80] =	vst v4;
	v4 =	vadd.f32 v10, v1;
	v5 =	vld [tilespmem:s12+$0x0]  }
0xa8: {  	[tilespmem:s12+$0xFFFFFF90] =	vst v6;
	v6 =	vadd.f32 v7, v0;
	v7 =	vld [tilespmem:s12+$0x10]  }
0xa9: {  	s10 =	sadd.s32 $0x4, s10;
	[tilespmem:s12+$0xFFFFFFA0] =	vst v4;
	v4 =	vadd.f32 v8, v3;
	v8 =	vld [tilespmem:s12+$0x20]  }
0xaa: {  	p1 =	slt.u32 s10, $0x7C;
	[tilespmem:s12+$0xFFFFFFB0] =	vst v6;
	v6 =	vadd.f32 v11, v2;
	v10 =	vld [tilespmem:s12+$0x30]  }
.Ltmp2:
0xab: {  	[tilespmem:s12+$0xFFFFFFC0] =	vst v4;
	v9 =	vadd.f32 v9, v1;
	v4 =	vld [tilespmem:s12+$0x40];
	(pc) =	sbr.rel @p1 .LBB2_7-.Ltmp2, $4  }
0xac: {  	[tilespmem:s12+$0xFFFFFFD0] =	vst v6;
	v5 =	vadd.f32 v5, v3;
	v6 =	vld [tilespmem:s12+$0x50]  }
0xad: {  	[tilespmem:s12+$0xFFFFFFE0] =	vst v9;
	v11 =	vadd.f32 v7, v2;
	v7 =	vld [tilespmem:s12+$0x60]  }
0xae: {  	[tilespmem:s12+$0x0] =	vst v5;
	v9 =	vadd.f32 v8, v1;
	v8 =	vld [tilespmem:s12+$0x70]  }
0xaf: {  	s12 =	sadd.s32 $0x100, s12;
	v5 =	vld [tilespmem:s0+$0xFFFFFFF0];
	[tilespmem:s0+$0x10] =	vst v11;
	v10 =	vadd.f32 v10, v0  }
0xb0: {  	[tilespmem:s0+$0x20] =	vst v9;
	v3 =	vadd.f32 v4, v3  }
0xb1: {  	[tilespmem:s0+$0x30] =	vst v10;
	v2 =	vadd.f32 v6, v2  }
0xb2: {  	[tilespmem:s0+$0x40] =	vst v3;
	v1 =	vadd.f32 v7, v1  }
0xb3: {  	s1 =	sshll.u32 s1, $0x12;
	[tilespmem:s0+$0x50] =	vst v2;
	v2 =	vadd.f32 v8, v0  }
0xb4: {  	s1 =	sor.u32 s7, s1;
	v0 =	vadd.f32 v5, v0;
	[tilespmem:s0+$0x60] =	vst v1  }
0xb5: {  	s1 =	sshrl.u32 s1, $0x3;
	[tilespmem:s0+$0x70] =	vst v2  }
0xb6: {  	s12 =	sadd.s32 s2, s1;
	[tilespmem:s0+$0xFFFFFFF0] =	vst v0;
	s0 =	simm.s32 @!p0 $0x7  }
0xb7: {  	[hbm4b:s12+s3] =	stream.linear.scatter [tilespmem:s16], [sflag:$0x7], $0x2000, $0x38;
	[tilespmem:$0x11600] =	vst v63  }
0xb8: {  	_ =	swait.ge @!p0 [sflag:s0], $0x2000  }
0xb9: {  	s10 =	simm.s32 @!p0 $0xD600;
	[sflag:s0] =	ssyncset.done @!p0 $0x0  }
0xba: {  	s1 =	simm.s32 @!p0 $0x80;
	[sflag:s0] =	ssyncadd.s32 @!p0 $0xFFFFE000;
	s0 =	sadd.s32 @!p0 $0x300, s30  }
0xbb: {  	[tilespmem:s10], [sflag:$0x3] =	stream.indirect.gather @!p0 [hbm4b:s4+s1], $0x40, s0, s1, $0xb8;
	[tilespmem:$0x11600] =	vst v63  }
0xbc: {  	_ =	swait.ge [sflag:s21], $0x2000  }
0xbd: {  	s31 =	sshll.u32 s29, $0x6;
	[sflag:s21] =	ssyncset.done $0x0  }
0xbe: {  	s0 =	sand.u32 $0x3FFFFFC0, s31;
	[sflag:s21] =	ssyncadd.s32 $0xFFFFE000  }
0xbf: {  	v3 =	vld [tilespmem:s0+$0x6400]  }
0xc0: {  	v2 =	vld [tilespmem:s0+$0x6410]  }
0xc1: {  	v1 =	vld [tilespmem:s0+$0x6420]  }
0xc2: {  	v0 =	vld [tilespmem:s0+$0x6430];
	s0 =	simm.s32 $0xF680  }
0xc3: {  	v4 =	vld [tilespmem:s0+$0xFFFFFF80]  }
0xc4: {  	v5 =	vld [tilespmem:s0+$0xFFFFFF90]  }
0xc5: {  	v6 =	vld [tilespmem:s0+$0xFFFFFFA0]  }
0xc6: {  	v7 =	vld [tilespmem:s0+$0xFFFFFFB0]  }
0xc7: {  	v8 =	vld [tilespmem:s0+$0xFFFFFFC0]  }
0xc8: {  	v9 =	vld [tilespmem:s0+$0xFFFFFFD0];
	v4 =	vadd.f32 v4, v3  }
0xc9: {  	v10 =	vld [tilespmem:s0+$0xFFFFFFE0];
	v5 =	vadd.f32 v5, v2  }
0xca: {  	[tilespmem:s0+$0xFFFFFF80] =	vst v4;
	v4 =	vadd.f32 v6, v1;
	v6 =	vld [tilespmem:s0+$0x0]  }
0xcb: {  	[tilespmem:s0+$0xFFFFFF90] =	vst v5;
	v5 =	vadd.f32 v7, v0;
	v7 =	vld [tilespmem:s0+$0x10]  }
0xcc: {  	[tilespmem:s0+$0xFFFFFFA0] =	vst v4;
	v4 =	vadd.f32 v8, v3;
	v8 =	vld [tilespmem:s0+$0x20]  }
0xcd: {  	v11 =	vld [tilespmem:s0+$0x30];
	[tilespmem:s0+$0xFFFFFFB0] =	vst v5;
	v5 =	vadd.f32 v9, v2  }
0xce: {  	v9 =	vadd.f32 v10, v1;
	[tilespmem:s0+$0xFFFFFFC0] =	vst v4;
	v4 =	vld [tilespmem:s0+$0x40]  }
0xcf: {  	[tilespmem:s0+$0xFFFFFFD0] =	vst v5;
	v5 =	vadd.f32 v6, v3;
	v6 =	vld [tilespmem:s0+$0x50]  }
0xd0: {  	[tilespmem:s0+$0xFFFFFFE0] =	vst v9;
	v10 =	vadd.f32 v7, v2;
	v7 =	vld [tilespmem:s0+$0x60]  }
0xd1: {  	[tilespmem:s0+$0x0] =	vst v5;
	v9 =	vadd.f32 v8, v1;
	v8 =	vld [tilespmem:s0+$0x70]  }
0xd2: {  	s1 =	simm.s32 $0x0;
	s10 =	simm.s32 $0xF780;
	v5 =	vld [tilespmem:s0+$0xFFFFFFF0];
	[tilespmem:s0+$0x10] =	vst v10;
	v10 =	vadd.f32 v11, v0  }
.LBB2_9:
0xd3: {  	v11 =	vld [tilespmem:s10+$0xFFFFFF80];
	[tilespmem:s0+$0x20] =	vst v9;
	v4 =	vadd.f32 v4, v3  }
0xd4: {  	v9 =	vld [tilespmem:s10+$0xFFFFFF90];
	[tilespmem:s0+$0x30] =	vst v10;
	v6 =	vadd.f32 v6, v2  }
0xd5: {  	v10 =	vld [tilespmem:s10+$0xFFFFFFA0];
	[tilespmem:s0+$0x40] =	vst v4;
	v4 =	vadd.f32 v7, v1  }
0xd6: {  	v7 =	vld [tilespmem:s10+$0xFFFFFFB0];
	[tilespmem:s0+$0x50] =	vst v6;
	v6 =	vadd.f32 v8, v0  }
0xd7: {  	v8 =	vld [tilespmem:s10+$0xFFFFFFC0];
	v5 =	vadd.f32 v5, v0;
	[tilespmem:s0+$0x60] =	vst v4  }
0xd8: {  	v4 =	vadd.f32 v11, v3;
	v11 =	vld [tilespmem:s10+$0xFFFFFFD0];
	[tilespmem:s0+$0x70] =	vst v6  }
0xd9: {  	v6 =	vadd.f32 v9, v2;
	v9 =	vld [tilespmem:s10+$0xFFFFFFE0];
	[tilespmem:s0+$0xFFFFFFF0] =	vst v5;
	s0 =	smov.u32 s10  }
0xda: {  	[tilespmem:s10+$0xFFFFFF80] =	vst v4;
	v4 =	vadd.f32 v10, v1;
	v5 =	vld [tilespmem:s10+$0x0]  }
0xdb: {  	[tilespmem:s10+$0xFFFFFF90] =	vst v6;
	v6 =	vadd.f32 v7, v0;
	v7 =	vld [tilespmem:s10+$0x10]  }
0xdc: {  	s1 =	sadd.s32 $0x4, s1;
	[tilespmem:s10+$0xFFFFFFA0] =	vst v4;
	v4 =	vadd.f32 v8, v3;
	v8 =	vld [tilespmem:s10+$0x20]  }
0xdd: {  	p0 =	slt.u32 s1, $0x7C;
	[tilespmem:s10+$0xFFFFFFB0] =	vst v6;
	v6 =	vadd.f32 v11, v2;
	v10 =	vld [tilespmem:s10+$0x30]  }
.Ltmp3:
0xde: {  	[tilespmem:s10+$0xFFFFFFC0] =	vst v4;
	v9 =	vadd.f32 v9, v1;
	v4 =	vld [tilespmem:s10+$0x40];
	(pc) =	sbr.rel @p0 .LBB2_9-.Ltmp3, $4  }
0xdf: {  	[tilespmem:s10+$0xFFFFFFD0] =	vst v6;
	v5 =	vadd.f32 v5, v3;
	v6 =	vld [tilespmem:s10+$0x50]  }
0xe0: {  	[tilespmem:s10+$0xFFFFFFE0] =	vst v9;
	v11 =	vadd.f32 v7, v2;
	v7 =	vld [tilespmem:s10+$0x60]  }
0xe1: {  	[tilespmem:s10+$0x0] =	vst v5;
	v9 =	vadd.f32 v8, v1;
	v8 =	vld [tilespmem:s10+$0x70]  }
0xe2: {  	s10 =	sadd.s32 $0x100, s10;
	v5 =	vld [tilespmem:s0+$0xFFFFFFF0];
	[tilespmem:s0+$0x10] =	vst v11;
	v10 =	vadd.f32 v10, v0  }
0xe3: {  	[tilespmem:s0+$0x20] =	vst v9;
	v3 =	vadd.f32 v4, v3  }
0xe4: {  	s28 =	sadd.s32 $0x1, s28;
	[tilespmem:s0+$0x30] =	vst v10;
	v2 =	vadd.f32 v6, v2  }
0xe5: {  	p0 =	sne.s32 s28, $0x32;
	[tilespmem:s0+$0x40] =	vst v3;
	v1 =	vadd.f32 v7, v1  }
.Ltmp4:
0xe6: {  	s1 =	sshll.u32 s29, $0x12;
	[tilespmem:s0+$0x50] =	vst v2;
	v62 =	vadd.f32 v8, v0;
	(pc) =	sbr.rel @p0 .LBB2_2-.Ltmp4, $4  }
0xe7: {  	s1 =	sor.u32 s7, s1;
	v63 =	vadd.f32 v5, v0;
	[tilespmem:s0+$0x60] =	vst v1  }
0xe8: {  	s1 =	sshrl.u32 s1, $0x3;
	[tilespmem:s0+$0x70] =	vst v62  }
0xe9: {  	s31 =	sadd.s32 s2, s1;
	[tilespmem:s0+$0xFFFFFFF0] =	vst v63  }
0xea: {  	[hbm4b:s31+s3] =	stream.linear.scatter [tilespmem:s17], [sflag:$0x8], $0x2000, $0x38;
	[tilespmem:$0x11600] =	vst v63  }
0xeb: {  	_ =	swait.ge [sflag:s22], $0x2000  }
0xec: {  	[sflag:s22] =	ssyncset.done $0x0  }
0xed: {  	[sflag:s22] =	ssyncadd.s32 $0xFFFFE000  }
0xee: {  	_ =	swait.ge [sflag:s23], $0x2000  }
0xef: {  	[sflag:s23] =	ssyncset.done $0x0  }
0xf0: {  	s26 =	sadd.s32 $0x1, s26;
	[sflag:s23] =	ssyncadd.s32 $0xFFFFE000  }
0xf1: {  	p0 =	sne.s32 s26, s8;
	_ =	swait.ge [sflag:s24], $0x2000  }
.Ltmp5:
0xf2: {  	[sflag:s24] =	ssyncset.done $0x0;
	(pc) =	sbr.rel @p0 .LBB2_1-.Ltmp5, $4  }
0xf3: {  	[sflag:s24] =	ssyncadd.s32 $0xFFFFE000  }
0xf4: {  	_ =	swait.ge [sflag:s25], $0x2000  }
0xf5: {  	[sflag:s25] =	ssyncset.done $0x0  }
0xf6: {  	[sflag:s25] =	ssyncadd.s32 $0xFFFFE000  }
0xf7: {  	_ =	sfence.sel $0x180000  }
0xf8: {  	[bflag:$0x0] =	sbarrier.arrive $0xFFFF  }
0xf9: {  	_ =	strace $0x90000047  }
0xfa: {  	s0 =	stileid.u32;
	[bflag:$0x2] =	sbarrier.arrive $0xFFFF  }
0xfb: {  	p0 =	sne.s32 s0, $0x0;
	s0 =	rddreg [dreg:$0x2]  }
0xfc: {  	s0 =	sadd.s32 @!p0 $0x100000, s0  }
0xfd: {  	[sflag:s0] =	ssyncadd.tile.s32 @!p0 $0x1;
	_ =	shalt  }
.Lfunc_end2:
_tile_overlayer_lowered:
.L_overlay_start_2:
0xfe: {  	(tag) =	ssettag $0x2  }
0xff: {  	s0 =	rddreg [dreg:$0x0];
	s2 =	stileid.u32  }
0x100: {  	s1 =	rddreg [dreg:$0x1];
	p0 =	sne.s32 s2, $0x0  }
0x101: {  	s3 =	rddreg [dreg:$0x2];
	[bflag:$0x3] =	sbarrier.arrive $0xFFFF;
	s2 =	simm.s32 @!p0 $0x1C09  }
0x102: {  	[timem:s3], [sflag:s2] =	dma.local @!p0 [hbm:s0], s1  }
0x103: {  	s0 =	simm.s32 @!p0 $0x9  }
0x104: {  	_ =	swait.ge @!p0 [sflag:s0], s1  }
0x105: {  	s1 =	ssub.s32 @!p0 $0x0, s1;
	[sflag:s0] =	ssyncset.done @!p0 $0x0  }
0x106: {  	[sflag:s0] =	ssyncadd.s32 @!p0 s1  }
0x107: {  	[bflag:$0x3] =	sbarrier.arrive $0xFFFF  }
0x108: {  	_ =	shalt  }

// kernel: sparse-core-data-format-call.cloned.1.call-start
scs
called_computation_lowered:
.L_overlay_start_0:
0x0: {  	s2 =	sld [smem:$0x3FD9]  }
0x1: {  	s3 =	sld [smem:$0x3FFE];
	_ =	sdelay $0x1  }
0x2: {  	s1 =	srdreg.scid  }
0x3: {  	s0 =	sand.u32 $0x1, s1  }
0x4: {  	s18 =	sshll.u32 s0, $0xA;
	s2 =	sadd.s32 s3, s2  }
0x5: {  	s2 =	sadd.s32 s2, s18  }
0x6: {  	[smem:$0x3FC5] =	sst s2  }
0x7: {  	_ = 	snop  }
0x8: {  	s2 =	sld [smem:$0x3FD0];
	(tm) =	ssettm $0x1  }
0x9: {  	s19 =	sld [smem:$0x3FFB];
	_ =	sdelay $0x3  }
0xa: {  	_ =	strace s19  }
0xb: {  	s3 =	sld [smem:$0x3FFC];
	_ =	sdelay $0x3  }
0xc: {  	_ =	strace s3  }
0xd: {  	s3 =	sld [smem:$0x3FFD];
	_ =	sdelay $0x3  }
0xe: {  	_ =	strace s3  }
0xf: {  	_ =	strace $0x8FFFFFFF  }
0x10: {  	s20 =	sld [smem:$0x3FDB];
	_ =	sdelay $0x1  }
0x11: {  	s4 =	simm.s32 $_scs_section_size  }
0x12: {  	s5 =	simm.s32 $_size__tile_overlayer_lowered;
	s6 =	simm.s32 $_tile_overlayer_lowered  }
0x13: {  	s23 =	simm.s32 $0x1BFF;
	s22 =	sshll.u32 s6, $0x1;
	s3 =	sadd.s32 s4, s20  }
0x14: {  	s7 =	simm.s32 $0x0;
	s21 =	sshll.u32 s5, $0x1;
	s5 =	sadd.s32 s22, s3  }
0x15: {  	[timem:s7], [sflag:s23] =	dma.local [hbm:s5], s21  }
0x16: {  	_ =	swait.ge [sflag:s23], s21  }
0x17: {  	s4 =	ssub.s32 $0x0, s21;
	[sflag:s23] =	ssyncset.done $0x0  }
0x18: {  	[sflag:s23] =	ssyncadd.s32 s4;
	_ =	sdelay $0x1  }
0x19: {  	s24 =	simm.s32 $0x1B8B  }
0x1a: {  	_ =	swait.ge [sflag:s24], $0x1  }
0x1b: {  	[sflag:s24] =	ssyncset.done $0x0  }
0x1c: {  	s26 =	simm.s32 $0x1B8E;
	s25 =	sld [smem:$0x3FFE];
	[sflag:s24] =	ssyncadd.s32 $0xFFFFFFFF  }
0x1d: {  	s27 =	simm.s32 $execute0_lowered;
	[smem:$0x3FD2] =	sst s26  }
0x1e: {  	s5 =	sshll.u32 s27, $0x1;
	_ =	strace $0x80000049;
	[dreg:$0x1] =	wrdreg $0xFFFFFFFF  }
0x1f: {  	s28 =	simm.s32 $_size_execute0_lowered;
	s3 =	sadd.s32 s3, s5;
	[dreg:$0x0] =	wrdreg $0x0  }
0x20: {  	s5 =	sshll.u32 s28, $0x1;
	[dreg:$0x2] =	wrdreg s3  }
0x21: {  	[dreg:$0x3] =	wrdreg s5  }
0x22: {  	[dreg:$0x4] =	wrdreg $0xC0  }
0x23: {  	_ =	task [dreg:s7], $0x5FFFF  }
0x24: {  	[dreg:$0x1] =	wrdreg $0xFFFFFFFF  }
0x25: {  	[dreg:$0x0] =	wrdreg $0x60  }
0x26: {  	[dreg:$0x2] =	wrdreg s25  }
0x27: {  	[dreg:$0x3] =	wrdreg s2  }
0x28: {  	[dreg:$0x4] =	wrdreg $0x9  }
0x29: {  	_ =	task.clear_ibuf [dreg:s7], $0x5FFFF;
	_ =	strace $0x90000049  }
0x2a: {  	s29 =	simm.s32 $0x9;
	_ =	strace $0x8000004B  }
0x2b: {  	_ =	swait.ge [sflag:s29], $0x1  }
0x2c: {  	[sflag:s29] =	ssyncadd.s32 $0xFFFFFFFF  }
0x2d: {  	_ =	strace $0x9000004B  }
0x2e: {  	_ =	sfence  }
0x2f: {  	s30 =	sld [smem:$0x0];
	_ =	sdelay $0x2  }
0x30: {  	s31 =	sshll.u32 s1, $0xD;
	s1 =	sshrl.u32 s1, $0x2  }
0x31: {  	s3 =	sand.u32 $0x4000, s31;
	s1 =	sadd.s32 s1, s30  }
0x32: {  	s0 =	sor.u32 s3, s0;
	s1 =	sshll.u32 s1, $0x11  }
0x33: {  	s0 =	sor.u32 s1, s0  }
0x34: {  	s0 =	sadd.s32 $0x8F2B, s0  }
0x35: {  	[sflag:s0] =	ssyncadd.remote.s32 $0x1  }
0x36: {  	_ =	sfence.sel $0xFFFF  }
0x37: {  	[dreg:$0x0] =	wrdreg $0xFFFFFFFF;
	(pc) =	sbr.abs _section_cstart, $3  }
0x38: {  	[dreg:$0x1] =	wrdreg $0xFFFFFFFF  }
0x39: {  	_ =	task.clear_ibuf [dreg:s7], $0x2FFFF;
	_ =	strace $0x9FFFFFFF  }
0x3a: {  	(tm) =	ssettm $0x7FFFFFFF  }
0x3b: {  	_ =	shalt  }
tec
execute0_lowered:
.L_overlay_start_1:
0x0: {  	(tag) =	ssettag $0x1  }
0x1: {  	s0 =	srdreg.scid  }
0x2: {  	s1 =	sshll.u32 s0, $0x4  }
0x3: {  	s5 =	rddreg [dreg:$0x0];
	s0 =	stileid.u32;
	s1 =	sand.u32 $0x10, s1  }
0x4: {  	s3 =	rddreg [dreg:$0x1];
	s31 =	simm.s32 $0x2;
	s4 =	sor.u32 s0, s1  }
0x5: {  	s13 =	simm.s32 $0x0;
	s9 =	simm.s32 $0x400;
	s2 =	sshll.u32 s4, $0x7  }
0x6: {  	s10 =	simm.s32 $0x8000;
	s14 =	simm.s32 $0x0;
	s6 =	ssub.s32 $0x1000, s2  }
0x7: {  	s1 =	rddreg [dreg:$0x2];
	_ =	strace $0x8000004A;
	s7 =	sand.u32 $0xF80, s6  }
0x8: {  	s4 =	sshll.u32 s4, $0xB;
	p0 =	sne.s32 s7, $0x0;
	s7 =	simm.s32 $0x1  }
.Ltmp0:
0x9: {  	s6 =	sshrl.u32 s6, $0xC;
	s7 =	simm.s32 @!p0 $0x0;
	(pc) =	sbr.rel .LBB1_1-.Ltmp0, $4  }
0xa: {  	s8 =	sadd.s32 s4, s5;
	s4 =	simm.s32 $0x1;
	s30 =	sadd.s32 s7, s6  }
0xb: {  	s11 =	simm.s32 $0x0;
	[sflag:s4] =	ssyncpa.u1 $0x0;
	s5 =	smul.u32 $0x64, s30  }
0xc: {  	s12 =	simm.s32 $0x0;
	[sflag:s31] =	ssyncpa.u1 $0x0;
	p0 =	por $0x0, $0x0  }
0xd: {  	s6 =	sadd.s32 $0xC00, s8;
	s7 =	sadd.s32 $0x10C00, s8;
	s8 =	sor.u32 $0x1, s5  }
.LBB1_7:
0xe: {  	s15 =	sadd.s32 $0x2, s11  }
0xf: {  	p2 =	sgt.s32 s15, $0xC7  }
0x10: {  	s15 =	simm.s32 @p2 $0x0;
	p2 =	sne.s32 s12, s8  }
.Ltmp1:
0x11: {  	p1 =	slt.u32 s12, $0x2;
	(pc) =	sbr.rel @!p2 .LBB1_8-.Ltmp1, $4  }
0x12: {  	s13 =	simm.s32 @!p1 $0x2  }
0x13: {  	s16 =	sadd.s32 $0x1, s12;
	s14 =	smov.u32 s11;
	_ =	swait.ge @!p1 [sflag:s13], $0x4000  }
0x14: {  	p0 =	por !p0, !p0;
	s12 =	smov.u32 s16;
	[sflag:s13] =	ssyncset.done @!p1 $0x0  }
0x15: {  	s11 =	smov.u32 s15;
	[sflag:s13] =	ssyncadd.s32 @!p1 $0xFFFFC000;
	s13 =	smov.u32 s2  }
.LBB1_1:
0x16: {  	p1 =	sge.u32 s12, s5  }
0x17: {  	s15 =	sxor.u32 @!p1 $0xFFFFFFFF, s12  }
0x18: {  	s16 =	sshll.u32 @!p1 s11, $0x10;
	s18 =	simm.s32 @!p1 $0x40;
	s15 =	sshll.u32 @!p1 s15, $0xE  }
0x19: {  	s19 =	simm.s32 @!p1 $0x80;
	s17 =	sadd.s32 @!p1 s16, s6;
	s15 =	sand.u32 @!p1 $0x4000, s15  }
0x1a: {  	[tilespmem:s15], [sflag:$0x1] =	stream.strided.gather @!p1 [hbm4b:s17+s18], $0x2000, s19, s18, $0x38;
	[tilespmem:$0x10100] =	vst v63  }
0x1b: {  	s31 =	sadd.s32 $0xFFFFFFFF, s12;
	s16 =	sadd.s32 @!p1 s16, s7;
	s15 =	sor.u32 @!p1 $0x2000, s15  }
0x1c: {  	[tilespmem:s15], [sflag:$0x1] =	stream.strided.gather @!p1 [hbm4b:s16+s18], $0x2000, s19, s18, $0x38;
	[tilespmem:$0x10100] =	vst v63  }
0x1d: {  	p1 =	sge.u32 s31, s5  }
.Ltmp2:
0x1e: {  	_ = 	snop;
	(pc) =	sbr.rel @p1 .LBB1_7-.Ltmp2, $1  }
0x1f: {  	_ =	sdelay $0x3  }
0x20: {  	s15 =	simm.s32 $0x1;
	s17 =	sand.u32 $0x1, s12  }
0x21: {  	_ =	swait.ge [sflag:s4], $0x4000;
	s15 =	simm.s32 @!p0 $0x0;
	s17 =	smul.u32 $0x10200, s17  }
0x22: {  	p2 =	por $0x1, $0x1;
	[sflag:s4] =	ssyncset.done $0x0;
	s16 =	smul.u32 $0x10200, s15  }
0x23: {  	s18 =	sshll.u32 s15, $0x10;
	[sflag:s4] =	ssyncadd.s32 $0xFFFFC000;
	s30 =	sshrl.u32 s17, $0x2  }
0x24: {  	s31 =	sshrl.u32 s18, $0x2;
	s18 =	simm.s32 $0x0;
	s16 =	sshrl.u32 s16, $0x2  }
0x25: {  	s15 =	sor.u32 $0x8000, s30;
	s17 =	sadd.s32 $0x20, s31;
	s16 =	sor.u32 $0x8000, s16  }
.LBB1_3:
0x26: {  	s19 =	sshll.u32 s18, $0xD  }
0x27: {  	s19 =	sand.u32 $0x3FFFE000, s19  }
0x28: {  	s21 =	sadd.s32 s19, s17  }
0x29: {  	s31 =	smul.u32 $0x8100, s18;
	v3 =	vld [tilespmem:s21+$0x10]  }
0x2a: {  	v1 =	vld [tilespmem:s21+$0xFFFFFFF0]  }
0x2b: {  	s18 =	sshra.s32 s31, $0x2;
	v0 =	vld [tilespmem:s21+$0x0]  }
0x2c: {  	s18 =	sadd.s32 s18, s16;
	v2 =	vld [tilespmem:s21+$0xFFFFFFE0]  }
0x2d: {  	s19 =	sadd.s32 $0x0, s18  }
0x2e: {  	p1 =	por p2, p2;
	s20 =	simm.s32 $0x4;
	s21 =	sadd.s32 $0x40, s21;
	[tilespmem:s19+$0x1830 ss:$0x81] =	vst.msk $0xffff, v3  }
.LBB1_4:
0x2f: {  	v3 =	vld [tilespmem:s21+$0x10];
	p2 =	sne.s32 s20, $0x1FC;
	[tilespmem:s19+$0x810 ss:$0x81] =	vst.msk $0xffff, v1;
	s22 =	smov.u32 s20;
	s20 =	sadd.s32 $0x4, s20  }
.Ltmp3:
0x30: {  	v1 =	vld [tilespmem:s21+$0xFFFFFFF0];
	[tilespmem:s19+$0x1020 ss:$0x81] =	vst.msk $0xffff, v0;
	(pc) =	sbr.rel @p2 .LBB1_4-.Ltmp3, $4  }
0x31: {  	v0 =	vld [tilespmem:s21+$0x0];
	[tilespmem:s19+$0x0 ss:$0x81] =	vst.msk $0xffff, v2  }
0x32: {  	s19 =	sshra.s32 s22, $0x2;
	v2 =	vld [tilespmem:s21+$0xFFFFFFE0]  }
0x33: {  	s19 =	sadd.s32 s19, s18  }
0x34: {  	s21 =	sadd.s32 $0x40, s21;
	[tilespmem:s19+$0x1830 ss:$0x81] =	vst.msk $0xffff, v3  }
.Ltmp4:
0x35: {  	(pc) =	sbr.rel @p1 .LBB1_3-.Ltmp4, $4  }
0x36: {  	_ = 	snop  }
0x37: {  	[tilespmem:s19+$0x810 ss:$0x81] =	vst.msk $0xffff, v1  }
0x38: {  	[tilespmem:s19+$0x1020 ss:$0x81] =	vst.msk $0xffff, v0  }
0x39: {  	s18 =	simm.s32 $0x1;
	p2 =	por $0x0, $0x0;
	[tilespmem:s19+$0x0 ss:$0x81] =	vst.msk $0xffff, v2  }
.Ltmp5:
0x3a: {  	(pc) =	sbr.rel .LBB1_7-.Ltmp5, $4  }
0x3b: {  	s14 =	sshll.u32 s14, $0xF  }
0x3c: {  	s14 =	sadd.s32 s3, s14  }
0x3d: {  	s13 =	sadd.s32 s13, s14  }
0x3e: {  	[hbm4b:s13+s9] =	stream.strided.scatter [tilespmem:s15], [sflag:$0x2], $0x4000, s10, s9, $0x20;
	[tilespmem:$0x10100] =	vst v63  }
.LBB1_8:
0x3f: {  	_ =	sfence.sel $0x180000  }
0x40: {  	s2 =	simm.s32 $0x1;
	[bflag:$0x0] =	sbarrier.arrive $0xFFFF  }
0x41: {  	s31 =	simm.s32 $0x2;
	[sflag:s2] =	ssyncpa.u1 $0x1  }
0x42: {  	[sflag:s31] =	ssyncpa.u1 $0x1  }
0x43: {  	p0 =	sne.s32 s0, $0x0;
	_ =	strace $0x9000004A  }
0x44: {  	s0 =	sadd.s32 @!p0 $0x100000, s1;
	[bflag:$0x2] =	sbarrier.arrive $0xFFFF  }
0x45: {  	[sflag:s0] =	ssyncadd.tile.s32 @!p0 $0x1;
	_ =	shalt  }
.Lfunc_end1:
_tile_overlayer_lowered:
.L_overlay_start_2:
0x46: {  	(tag) =	ssettag $0x2  }
0x47: {  	s0 =	rddreg [dreg:$0x0];
	s2 =	stileid.u32  }
0x48: {  	s1 =	rddreg [dreg:$0x1];
	p0 =	sne.s32 s2, $0x0  }
0x49: {  	s3 =	rddreg [dreg:$0x2];
	[bflag:$0x3] =	sbarrier.arrive $0xFFFF;
	s2 =	simm.s32 @!p0 $0x1C01  }
0x4a: {  	[timem:s3], [sflag:s2] =	dma.local @!p0 [hbm:s0], s1  }
0x4b: {  	s0 =	simm.s32 @!p0 $0x1  }
0x4c: {  	_ =	swait.ge @!p0 [sflag:s0], s1  }
0x4d: {  	s1 =	ssub.s32 @!p0 $0x0, s1;
	[sflag:s0] =	ssyncset.done @!p0 $0x0  }
0x4e: {  	[sflag:s0] =	ssyncadd.s32 @!p0 s1  }
0x4f: {  	[bflag:$0x3] =	sbarrier.arrive $0xFFFF  }
0x50: {  	_ =	shalt  }

</sc_bundles>
